<compile_context>
chip_gen: v7x
topology: tpu7x:2x2x1
jax: 0.10.2.dev20260603
libtpu: 0.0.44.dev20260713+nightly
codegen_flags: <defaults>
</compile_context>

<pallas_src>
import functools

import jax
import jax.numpy as jnp
import numpy as np
from jax import lax
from jax.experimental import pallas as pl
from jax.experimental.pallas import tpu as pltpu
from jax.experimental.pallas import tpu_sc as plsc

NN = 10000
NP = 10240
EE = 320000
NC, NS = 2, 16
NT = NC * NS
NSPLIT = 4
EPH = EE // NT // NSPLIT
FW = 16
RPT = NP // NS
NG = 64
BN = 2048
BNR = BN * FW // 128
NPP = NP * FW // 128
GRID = NP // BN

_mesh = plsc.VectorSubcoreMesh(
    core_axis_name="c", subcore_axis_name="s", num_cores=NC, num_subcores=NS
)

_sc_params = pltpu.CompilerParams(use_tc_tiling_on_sc=False)


@functools.partial(
    pl.kernel,
    out_type=jax.ShapeDtypeStruct((NC, NP, FW), jnp.float32),
    mesh=_mesh,
    scratch_types=[
        pltpu.VMEM((NSPLIT, EPH), jnp.int32),
        pltpu.VMEM((EPH, FW), jnp.float32),
        pltpu.VMEM_SHARED((NP, FW), jnp.float32),
        pltpu.SemaphoreType.DMA,
    ],
    compiler_params=_sc_params,
)
def _sc_degree(ei4, zeros_hbm, ones_hbm, out, idx_v, ones_v, acc_sh, sem):
    cid = lax.axis_index("c")
    sid = lax.axis_index("s")
    wid = cid * NS + sid
    pltpu.sync_copy(ei4.at[1, wid], idx_v)
    pltpu.sync_copy(ones_hbm, ones_v)
    pltpu.sync_copy(
        zeros_hbm.at[pl.ds(sid * RPT, RPT)], acc_sh.at[pl.ds(sid * RPT, RPT)]
    )
    plsc.subcore_barrier()
    descs = [
        pltpu.async_copy(ones_v, acc_sh.at[idx_v.at[h]], sem, add=True)
        for h in range(NSPLIT)
    ]
    for d in descs:
        d.wait()
    plsc.subcore_barrier()
    pltpu.sync_copy(
        acc_sh.at[pl.ds(sid * RPT, RPT)], out.at[cid, pl.ds(sid * RPT, RPT)]
    )


@functools.partial(
    pl.kernel,
    out_type=jax.ShapeDtypeStruct((NC, NP, FW), jnp.float32),
    mesh=_mesh,
    scratch_types=[
        pltpu.VMEM((NSPLIT, EPH), jnp.int32),
        pltpu.VMEM((NSPLIT, EPH), jnp.int32),
        pltpu.VMEM((2, EPH, FW), jnp.float32),
        pltpu.VMEM_SHARED((NP, FW), jnp.float32),
        pltpu.VMEM_SHARED((NP, FW), jnp.float32),
        pltpu.SemaphoreType.DMA,
        pltpu.SemaphoreType.DMA,
        pltpu.SemaphoreType.DMA,
        pltpu.SemaphoreType.DMA,
    ],
    compiler_params=_sc_params,
)
def _sc_aggregate(ei4, table, zeros_hbm, out,
                  si_v, di_v, rows_v, tbl_sh, acc_sh,
                  sg0, sg1, ss0, ss1):
    cid = lax.axis_index("c")
    sid = lax.axis_index("s")
    wid = cid * NS + sid
    pltpu.sync_copy(ei4.at[0, wid], si_v)
    pltpu.sync_copy(ei4.at[1, wid], di_v)
    pltpu.sync_copy(
        table.at[pl.ds(sid * RPT, RPT)], tbl_sh.at[pl.ds(sid * RPT, RPT)]
    )
    pltpu.sync_copy(
        zeros_hbm.at[pl.ds(sid * RPT, RPT)], acc_sh.at[pl.ds(sid * RPT, RPT)]
    )
    plsc.subcore_barrier()

    semg = (sg0, sg1)
    sems = (ss0, ss1)
    dg = [None] * NSPLIT
    dsc = [None] * NSPLIT
    dg[0] = pltpu.async_copy(tbl_sh.at[si_v.at[0]], rows_v.at[0], semg[0])
    for q in range(NSPLIT):
        bank = q % 2
        dg[q].wait()
        dsc[q] = pltpu.async_copy(
            rows_v.at[bank], acc_sh.at[di_v.at[q]], sems[bank], add=True
        )
        if q + 1 < NSPLIT:
            if q >= 1:
                dsc[q - 1].wait()
            dg[q + 1] = pltpu.async_copy(
                tbl_sh.at[si_v.at[q + 1]], rows_v.at[1 - bank],
                semg[1 - bank],
            )
    dsc[NSPLIT - 2].wait()
    dsc[NSPLIT - 1].wait()
    plsc.subcore_barrier()
    pltpu.sync_copy(
        acc_sh.at[pl.ds(sid * RPT, RPT)], out.at[cid, pl.ds(sid * RPT, RPT)]
    )


def _tc0_body(x_ref, w1k_ref, h1_ref):
    h1_ref[...] = jnp.dot(
        x_ref[...], w1k_ref[...], preferred_element_type=jnp.float32
    )


def _tc1_body(h1_ref, degp_ref, g1_ref, dinv_ref):
    d = degp_ref[...]
    dinv = lax.rsqrt(d[0] + d[1] + 1.0)
    g1_ref[...] = dinv * h1_ref[...]
    dinv_ref[...] = dinv


def _tc2_body(p_ref, g1_ref, dinv_ref, b1t_ref, w2k_ref, g2_ref):
    p = p_ref[...]
    dinv = dinv_ref[...]
    t = dinv * (p[0] + p[1] + g1_ref[...]) + b1t_ref[...]
    h1p = jnp.maximum(t, 0.0)
    g2_ref[...] = dinv * jnp.dot(
        h1p, w2k_ref[...], preferred_element_type=jnp.float32
    )


def _tc3_body(p_ref, g2_ref, dinv_ref, b2_ref, batch_ref, out_ref, acc_ref):
    i = pl.program_id(0)

    @pl.when(i == 0)
    def _init():
        acc_ref[...] = jnp.zeros_like(acc_ref)

    p = p_ref[...]
    nodes_p = dinv_ref[...] * (p[0] + p[1] + g2_ref[...])
    col16 = lax.broadcasted_iota(jnp.int32, (BNR, 128), 1) % FW
    nodes_p = jnp.where(
        col16 < 10, nodes_p, jnp.where(col16 == 10, 1.0, 0.0)
    )
    b3 = batch_ref[...].reshape(8, BNR)
    gid = lax.broadcasted_iota(jnp.int32, (NG, BNR), 0)
    total = jnp.zeros((NG, FW), jnp.float32)
    for k in range(8):
        row = b3[k:k + 1]
        mask = (gid == jnp.broadcast_to(row, (NG, BNR))).astype(jnp.float32)
        mm = jnp.dot(mask, nodes_p, preferred_element_type=jnp.float32)
        total += mm[:, FW * k:FW * (k + 1)]
    acc_ref[...] += total

    @pl.when(i == GRID - 1)
    def _finish():
        a = acc_ref[...]
        cnt = a[:, 10:11]
        v = a / jnp.maximum(cnt, 1.0) + b2_ref[...] * (cnt > 0.0)
        colv = lax.broadcasted_iota(jnp.int32, (NG, FW), 1)
        m = jnp.max(jnp.where(colv < 10, v, -1e30), axis=1, keepdims=True)
        e = jnp.where(colv < 10, jnp.exp(v - m), 0.0)
        lse = jnp.log(jnp.sum(e, axis=1, keepdims=True))
        out_ref[...] = (v - m - lse)[:, :10]


_tc0 = pl.pallas_call(
    _tc0_body,
    grid=(GRID,),
    in_specs=[
        pl.BlockSpec((BNR, 1024), lambda i: (i, 0)),
        pl.BlockSpec((1024, 128), lambda i: (0, 0)),
    ],
    out_specs=pl.BlockSpec((BNR, 128), lambda i: (i, 0)),
    out_shape=jax.ShapeDtypeStruct((NPP, 128), jnp.float32),
)

_tc1 = pl.pallas_call(
    _tc1_body,
    grid=(GRID,),
    in_specs=[
        pl.BlockSpec((BNR, 128), lambda i: (i, 0)),
        pl.BlockSpec((NC, BNR, 128), lambda i: (0, i, 0)),
    ],
    out_specs=[
        pl.BlockSpec((BNR, 128), lambda i: (i, 0)),
        pl.BlockSpec((BNR, 128), lambda i: (i, 0)),
    ],
    out_shape=[
        jax.ShapeDtypeStruct((NPP, 128), jnp.float32),
        jax.ShapeDtypeStruct((NPP, 128), jnp.float32),
    ],
)

_tc2 = pl.pallas_call(
    _tc2_body,
    grid=(GRID,),
    in_specs=[
        pl.BlockSpec((NC, BNR, 128), lambda i: (0, i, 0)),
        pl.BlockSpec((BNR, 128), lambda i: (i, 0)),
        pl.BlockSpec((BNR, 128), lambda i: (i, 0)),
        pl.BlockSpec((1, 128), lambda i: (0, 0)),
        pl.BlockSpec((128, 128), lambda i: (0, 0)),
    ],
    out_specs=pl.BlockSpec((BNR, 128), lambda i: (i, 0)),
    out_shape=jax.ShapeDtypeStruct((NPP, 128), jnp.float32),
)

_tc3 = pl.pallas_call(
    _tc3_body,
    grid=(GRID,),
    in_specs=[
        pl.BlockSpec((NC, BNR, 128), lambda i: (0, i, 0)),
        pl.BlockSpec((BNR, 128), lambda i: (i, 0)),
        pl.BlockSpec((BNR, 128), lambda i: (i, 0)),
        pl.BlockSpec((1, FW), lambda i: (0, 0)),
        pl.BlockSpec((1, 8, BNR), lambda i: (i, 0, 0)),
    ],
    out_specs=pl.BlockSpec((NG, 10), lambda i: (0, 0)),
    out_shape=jax.ShapeDtypeStruct((NG, 10), jnp.float32),
    scratch_shapes=[pltpu.VMEM((NG, FW), jnp.float32)],
)


@jax.jit
def kernel(x, edge_index, batch, W1, b1, W2, b2):
    x = x.astype(jnp.float32)
    ei = edge_index.astype(jnp.int32)
    batch = batch.astype(jnp.int32)

    ei4 = ei.reshape(2, NT, NSPLIT, EPH)
    zeros_tab = jnp.zeros((NP, FW), jnp.float32)
    ones_rows = jnp.ones((EPH, FW), jnp.float32)
    degp = _sc_degree(ei4, zeros_tab, ones_rows)

    xp = jnp.concatenate([x, jnp.zeros((NP - NN, x.shape[1]), jnp.float32)])
    xp8 = xp.reshape(NPP, 1024)
    batchk = (
        jnp.concatenate([batch, jnp.full((NP - NN,), NG, jnp.int32)])
        .reshape(GRID, BNR, 8)
        .transpose(0, 2, 1)
    )
    eye8 = jnp.eye(8, dtype=jnp.float32)
    w1k = jnp.kron(eye8, W1.astype(jnp.float32))
    w2p = jnp.pad(W2.astype(jnp.float32), ((0, 0), (0, FW - W2.shape[1])))
    w2k = jnp.kron(eye8, w2p)
    b1t = jnp.tile(b1.astype(jnp.float32), 8).reshape(1, 128)
    b2r = jnp.pad(b2.astype(jnp.float32), (0, FW - b2.shape[0])).reshape(1, FW)

    h1p = _tc0(xp8, w1k)
    g1p, dinvp = _tc1(h1p, degp.reshape(NC, NPP, 128))
    p1 = _sc_aggregate(ei4, g1p.reshape(NP, FW), zeros_tab)
    g2p = _tc2(p1.reshape(NC, NPP, 128), g1p, dinvp, b1t, w2k)
    p2 = _sc_aggregate(ei4, g2p.reshape(NP, FW), zeros_tab)
    return _tc3(p2.reshape(NC, NPP, 128), g2p, dinvp, b2r, batchk)

# --- scband reference (transcript-rebuilt; emitter-appended) ---
"""Pipeline reference for scband-gcn-3676492005492 (READ-ONLY COPY).

The authoritative reference and input builder live on the scoring server;
editing this copy changes nothing except your own understanding.
"""

import jax, jax.numpy as jnp
import numpy as np

N = 10000
E = 320000
F_IN = 128
H = 16
C = 10
G = 64


def setup_inputs(seed: int = 0) -> dict:
    key = jax.random.key(seed)
    k1, k2, k3, k4, k5, k6, k7 = jax.random.split(key, 7)
    x = jax.random.normal(k1, (N, F_IN), dtype=jnp.float32)
    edge_index = jax.random.randint(k2, (2, E), 0, N, dtype=jnp.int64)
    batch = jnp.sort(jax.random.randint(k3, (N,), 0, G, dtype=jnp.int64))
    W1 = jax.random.normal(k4, (F_IN, H), dtype=jnp.float32) * 0.05
    b1 = jnp.zeros((H,), dtype=jnp.float32)
    W2 = jax.random.normal(k5, (H, C), dtype=jnp.float32) * 0.05
    b2 = jnp.zeros((C,), dtype=jnp.float32)
    return {"x": x, "edge_index": edge_index, "batch": batch, "W1": W1, "b1": b1, "W2": W2, "b2": b2}


def _gcn_conv(x, edge_index, W, b):
    # GCNConv: add self-loops, symmetric normalization D^-1/2 (A+I) D^-1/2, linear, aggregate, bias
    n = x.shape[0]
    loop = jnp.arange(n, dtype=edge_index.dtype)
    src = jnp.concatenate([edge_index[0], loop])
    dst = jnp.concatenate([edge_index[1], loop])
    deg = jnp.zeros((n,), dtype=x.dtype).at[dst].add(1.0)
    dinv = jax.lax.rsqrt(jnp.maximum(deg, 1e-12))
    norm = dinv[src] * dinv[dst]
    h = x @ W
    msg = h[src] * norm[:, None]
    out = jnp.zeros((n, W.shape[1]), dtype=x.dtype).at[dst].add(msg)
    return out + b


def reference(x, edge_index, batch, W1, b1, W2, b2):
    h = _gcn_conv(x, edge_index, W1, b1)
    h = jax.nn.relu(h)
    # dropout is identity in eval mode (training=False)
    h = _gcn_conv(h, edge_index, W2, b2)
    # global_mean_pool over graph ids
    sums = jax.ops.segment_sum(h, batch, num_segments=G)
    counts = jax.ops.segment_sum(jnp.ones((h.shape[0],), dtype=h.dtype), batch, num_segments=G)
    pooled = sums / jnp.maximum(counts, 1.0)[:, None]
    return jax.nn.log_softmax(pooled, axis=1)

if __name__ == "__main__":
    import jax
    _d = setup_inputs()
    print(jax.jit(kernel)(*tuple(_d.values())))

</pallas_src>

<mosaic_0001>
#map = affine_map<(d0, d1) -> (0, 0, 0, 0)>
#map1 = affine_map<(d0, d1) -> (0, 0)>
#map2 = affine_map<(d0, d1) -> (0, 0, 0)>
module attributes {stable_mosaic.version = 14 : i64} {
  func.func @_sc_aggregate(%arg0: i32, %arg1: i32, %arg2: memref<2x32x4x2500xi32, #tpu.memory_space<hbm>>, %arg3: memref<10240x16xf32, #tpu.memory_space<hbm>>, %arg4: memref<10240x16xf32, #tpu.memory_space<hbm>>, %arg5: memref<2x10240x16xf32, #tpu.memory_space<hbm>>, %arg6: memref<4x2500xi32, #tpu.memory_space<vmem>>, %arg7: memref<4x2500xi32, #tpu.memory_space<vmem>>, %arg8: memref<2x2500x16xf32, #tpu.memory_space<vmem>>, %arg9: memref<10240x16xf32, #tpu.memory_space<vmem_shared>>, %arg10: memref<10240x16xf32, #tpu.memory_space<vmem_shared>>, %arg11: memref<!tpu.dma_semaphore, #tpu.memory_space<semaphore_mem>>, %arg12: memref<!tpu.dma_semaphore, #tpu.memory_space<semaphore_mem>>, %arg13: memref<!tpu.dma_semaphore, #tpu.memory_space<semaphore_mem>>, %arg14: memref<!tpu.dma_semaphore, #tpu.memory_space<semaphore_mem>>) attributes {dimension_semantics = [#tpu.dimension_semantics<core_parallel>, #tpu.dimension_semantics<subcore_parallel>], iteration_bounds = array<i64: 2, 16>, scalar_prefetch = 0 : i64, scratch_operands = 9 : i64, tpu.core_type = #tpu.core_type<sc_vector_subcore>, window_params = [{transform_indices = #map}, {transform_indices = #map1}, {transform_indices = #map1}, {transform_indices = #map2}]} {
    %mul3A = arith.constant 16 : i32
    %mul3A_0 = arith.muli %arg0, %mul3A : i32
    %add3A = arith.addi %mul3A_0, %arg1 : i32
    %run_scoped3A = arith.constant 0 : i32
    "tpu.region"() ({
      %run_scoped3A_205 = tpu.sem_alloc : memref<!tpu.dma_semaphore, #tpu.memory_space<semaphore_mem>>
      %dma_start3A_206 = arith.constant 0 : i32
      %dma_start3A_207 = arith.constant 0 : i32
      %dma_start3A_208 = tpu.memref_slice %arg2[%run_scoped3A, %add3A, %dma_start3A_206, %dma_start3A_207] : memref<2x32x4x2500xi32, #tpu.memory_space<hbm>> -> memref<1x1x4x2500xi32, #tpu.memory_space<hbm>>
      %dma_start3A_209 = tpu.memref_squeeze %dma_start3A_208 : memref<1x1x4x2500xi32, #tpu.memory_space<hbm>> -> memref<4x2500xi32, #tpu.memory_space<hbm>>
      %dma_start3A_210 = arith.constant 0 : i32
      %dma_start3A_211 = arith.constant 0 : i32
      %dma_start3A_212 = tpu.memref_slice %arg2[%run_scoped3A, %add3A, %dma_start3A_210, %dma_start3A_211] : memref<2x32x4x2500xi32, #tpu.memory_space<hbm>> -> memref<1x1x4x2500xi32, #tpu.memory_space<hbm>>
      %dma_start3A_213 = tpu.memref_squeeze %dma_start3A_212 : memref<1x1x4x2500xi32, #tpu.memory_space<hbm>> -> memref<4x2500xi32, #tpu.memory_space<hbm>>
      tpu.enqueue_dma source(%dma_start3A_213 : memref<4x2500xi32, #tpu.memory_space<hbm>>) target(%arg6 : memref<4x2500xi32, #tpu.memory_space<vmem>>) target_semaphore(%run_scoped3A_205 : memref<!tpu.dma_semaphore, #tpu.memory_space<semaphore_mem>>)
      %dma_wait3A_214 = arith.constant 0 : i32
      %dma_wait3A_215 = arith.constant 0 : i32
      %dma_wait3A_216 = tpu.memref_slice %arg2[%run_scoped3A, %add3A, %dma_wait3A_214, %dma_wait3A_215] : memref<2x32x4x2500xi32, #tpu.memory_space<hbm>> -> memref<1x1x4x2500xi32, #tpu.memory_space<hbm>>
      %dma_wait3A_217 = tpu.memref_squeeze %dma_wait3A_216 : memref<1x1x4x2500xi32, #tpu.memory_space<hbm>> -> memref<4x2500xi32, #tpu.memory_space<hbm>>
      %dma_wait3A_218 = arith.constant 0 : i32
      %dma_wait3A_219 = arith.constant 0 : i32
      %dma_wait3A_220 = tpu.memref_slice %arg2[%run_scoped3A, %add3A, %dma_wait3A_218, %dma_wait3A_219] : memref<2x32x4x2500xi32, #tpu.memory_space<hbm>> -> memref<1x1x4x2500xi32, #tpu.memory_space<hbm>>
      %dma_wait3A_221 = tpu.memref_squeeze %dma_wait3A_220 : memref<1x1x4x2500xi32, #tpu.memory_space<hbm>> -> memref<4x2500xi32, #tpu.memory_space<hbm>>
      tpu.wait_dma2 semaphore(%run_scoped3A_205 : memref<!tpu.dma_semaphore, #tpu.memory_space<semaphore_mem>>) src(%dma_wait3A_221 : memref<4x2500xi32, #tpu.memory_space<hbm>>) dst(%arg6 : memref<4x2500xi32, #tpu.memory_space<vmem>>)
      tpu.yield
    }) : () -> ()
    %run_scoped3A_1 = arith.constant 1 : i32
    "tpu.region"() ({
      %run_scoped3A_205 = tpu.sem_alloc : memref<!tpu.dma_semaphore, #tpu.memory_space<semaphore_mem>>
      %dma_start3A_206 = arith.constant 0 : i32
      %dma_start3A_207 = arith.constant 0 : i32
      %dma_start3A_208 = tpu.memref_slice %arg2[%run_scoped3A_1, %add3A, %dma_start3A_206, %dma_start3A_207] : memref<2x32x4x2500xi32, #tpu.memory_space<hbm>> -> memref<1x1x4x2500xi32, #tpu.memory_space<hbm>>
      %dma_start3A_209 = tpu.memref_squeeze %dma_start3A_208 : memref<1x1x4x2500xi32, #tpu.memory_space<hbm>> -> memref<4x2500xi32, #tpu.memory_space<hbm>>
      %dma_start3A_210 = arith.constant 0 : i32
      %dma_start3A_211 = arith.constant 0 : i32
      %dma_start3A_212 = tpu.memref_slice %arg2[%run_scoped3A_1, %add3A, %dma_start3A_210, %dma_start3A_211] : memref<2x32x4x2500xi32, #tpu.memory_space<hbm>> -> memref<1x1x4x2500xi32, #tpu.memory_space<hbm>>
      %dma_start3A_213 = tpu.memref_squeeze %dma_start3A_212 : memref<1x1x4x2500xi32, #tpu.memory_space<hbm>> -> memref<4x2500xi32, #tpu.memory_space<hbm>>
      tpu.enqueue_dma source(%dma_start3A_213 : memref<4x2500xi32, #tpu.memory_space<hbm>>) target(%arg7 : memref<4x2500xi32, #tpu.memory_space<vmem>>) target_semaphore(%run_scoped3A_205 : memref<!tpu.dma_semaphore, #tpu.memory_space<semaphore_mem>>)
      %dma_wait3A_214 = arith.constant 0 : i32
      %dma_wait3A_215 = arith.constant 0 : i32
      %dma_wait3A_216 = tpu.memref_slice %arg2[%run_scoped3A_1, %add3A, %dma_wait3A_214, %dma_wait3A_215] : memref<2x32x4x2500xi32, #tpu.memory_space<hbm>> -> memref<1x1x4x2500xi32, #tpu.memory_space<hbm>>
      %dma_wait3A_217 = tpu.memref_squeeze %dma_wait3A_216 : memref<1x1x4x2500xi32, #tpu.memory_space<hbm>> -> memref<4x2500xi32, #tpu.memory_space<hbm>>
      %dma_wait3A_218 = arith.constant 0 : i32
      %dma_wait3A_219 = arith.constant 0 : i32
      %dma_wait3A_220 = tpu.memref_slice %arg2[%run_scoped3A_1, %add3A, %dma_wait3A_218, %dma_wait3A_219] : memref<2x32x4x2500xi32, #tpu.memory_space<hbm>> -> memref<1x1x4x2500xi32, #tpu.memory_space<hbm>>
      %dma_wait3A_221 = tpu.memref_squeeze %dma_wait3A_220 : memref<1x1x4x2500xi32, #tpu.memory_space<hbm>> -> memref<4x2500xi32, #tpu.memory_space<hbm>>
      tpu.wait_dma2 semaphore(%run_scoped3A_205 : memref<!tpu.dma_semaphore, #tpu.memory_space<semaphore_mem>>) src(%dma_wait3A_221 : memref<4x2500xi32, #tpu.memory_space<hbm>>) dst(%arg7 : memref<4x2500xi32, #tpu.memory_space<vmem>>)
      tpu.yield
    }) : () -> ()
    %mul3A_2 = arith.constant 640 : i32
    %mul3A_3 = arith.muli %arg1, %mul3A_2 : i32
    %mul3A_4 = arith.constant 640 : i32
    %mul3A_5 = arith.muli %arg1, %mul3A_4 : i32
    "tpu.region"() ({
      %run_scoped3A_205 = tpu.sem_alloc : memref<!tpu.dma_semaphore, #tpu.memory_space<semaphore_mem>>
      %dma_start3A_206 = arith.constant 0 : i32
      %dma_start3A_207 = tpu.memref_slice %arg9[%mul3A_5, %dma_start3A_206] : memref<10240x16xf32, #tpu.memory_space<vmem_shared>> -> memref<640x16xf32, #tpu.memory_space<vmem_shared>>
      %dma_start3A_208 = arith.constant 0 : i32
      %dma_start3A_209 = tpu.memref_slice %arg3[%mul3A_3, %dma_start3A_208] : memref<10240x16xf32, #tpu.memory_space<hbm>> -> memref<640x16xf32, #tpu.memory_space<hbm>>
      tpu.enqueue_dma source(%dma_start3A_209 : memref<640x16xf32, #tpu.memory_space<hbm>>) target(%dma_start3A_207 : memref<640x16xf32, #tpu.memory_space<vmem_shared>>) target_semaphore(%run_scoped3A_205 : memref<!tpu.dma_semaphore, #tpu.memory_space<semaphore_mem>>)
      %dma_wait3A_210 = arith.constant 0 : i32
      %dma_wait3A_211 = tpu.memref_slice %arg9[%mul3A_5, %dma_wait3A_210] : memref<10240x16xf32, #tpu.memory_space<vmem_shared>> -> memref<640x16xf32, #tpu.memory_space<vmem_shared>>
      %dma_wait3A_212 = arith.constant 0 : i32
      %dma_wait3A_213 = tpu.memref_slice %arg3[%mul3A_3, %dma_wait3A_212] : memref<10240x16xf32, #tpu.memory_space<hbm>> -> memref<640x16xf32, #tpu.memory_space<hbm>>
      tpu.wait_dma2 semaphore(%run_scoped3A_205 : memref<!tpu.dma_semaphore, #tpu.memory_space<semaphore_mem>>) src(%dma_wait3A_213 : memref<640x16xf32, #tpu.memory_space<hbm>>) dst(%dma_wait3A_211 : memref<640x16xf32, #tpu.memory_space<vmem_shared>>)
      tpu.yield
    }) : () -> ()
    %mul3A_6 = arith.constant 640 : i32
    %mul3A_7 = arith.muli %arg1, %mul3A_6 : i32
    %mul3A_8 = arith.constant 640 : i32
    %mul3A_9 = arith.muli %arg1, %mul3A_8 : i32
    "tpu.region"() ({
      %run_scoped3A_205 = tpu.sem_alloc : memref<!tpu.dma_semaphore, #tpu.memory_space<semaphore_mem>>
      %dma_start3A_206 = arith.constant 0 : i32
      %dma_start3A_207 = tpu.memref_slice %arg10[%mul3A_9, %dma_start3A_206] : memref<10240x16xf32, #tpu.memory_space<vmem_shared>> -> memref<640x16xf32, #tpu.memory_space<vmem_shared>>
      %dma_start3A_208 = arith.constant 0 : i32
      %dma_start3A_209 = tpu.memref_slice %arg4[%mul3A_7, %dma_start3A_208] : memref<10240x16xf32, #tpu.memory_space<hbm>> -> memref<640x16xf32, #tpu.memory_space<hbm>>
      tpu.enqueue_dma source(%dma_start3A_209 : memref<640x16xf32, #tpu.memory_space<hbm>>) target(%dma_start3A_207 : memref<640x16xf32, #tpu.memory_space<vmem_shared>>) target_semaphore(%run_scoped3A_205 : memref<!tpu.dma_semaphore, #tpu.memory_space<semaphore_mem>>)
      %dma_wait3A_210 = arith.constant 0 : i32
      %dma_wait3A_211 = tpu.memref_slice %arg10[%mul3A_9, %dma_wait3A_210] : memref<10240x16xf32, #tpu.memory_space<vmem_shared>> -> memref<640x16xf32, #tpu.memory_space<vmem_shared>>
      %dma_wait3A_212 = arith.constant 0 : i32
      %dma_wait3A_213 = tpu.memref_slice %arg4[%mul3A_7, %dma_wait3A_212] : memref<10240x16xf32, #tpu.memory_space<hbm>> -> memref<640x16xf32, #tpu.memory_space<hbm>>
      tpu.wait_dma2 semaphore(%run_scoped3A_205 : memref<!tpu.dma_semaphore, #tpu.memory_space<semaphore_mem>>) src(%dma_wait3A_213 : memref<640x16xf32, #tpu.memory_space<hbm>>) dst(%dma_wait3A_211 : memref<640x16xf32, #tpu.memory_space<vmem_shared>>)
      tpu.yield
    }) : () -> ()
    %barrier3A = arith.constant 0 : index
    tpu.barrier barrier_id(%barrier3A)
    %dma_start3A = arith.constant 0 : i32
    %dma_start3A_10 = arith.constant 0 : i32
    %dma_start3A_11 = arith.constant 0 : i32
    %dma_start3A_12 = arith.constant 0 : i32
    %dma_start3A_13 = tpu.memref_slice %arg8[%dma_start3A_10, %dma_start3A_11, %dma_start3A_12] : memref<2x2500x16xf32, #tpu.memory_space<vmem>> -> memref<1x2500x16xf32, #tpu.memory_space<vmem>>
    %dma_start3A_14 = tpu.memref_squeeze %dma_start3A_13 : memref<1x2500x16xf32, #tpu.memory_space<vmem>> -> memref<2500x16xf32, #tpu.memory_space<vmem>>
    %dma_start3A_15 = arith.constant 0 : i32
    %dma_start3A_16 = tpu.memref_slice %arg6[%dma_start3A, %dma_start3A_15] : memref<4x2500xi32, #tpu.memory_space<vmem>> -> memref<1x2500xi32, #tpu.memory_space<vmem>>
    %dma_start3A_17 = tpu.memref_squeeze %dma_start3A_16 : memref<1x2500xi32, #tpu.memory_space<vmem>> -> memref<2500xi32, #tpu.memory_space<vmem>>
    %dma_start3A_18 = arith.constant 0 : i32
    %dma_start3A_19 = arith.constant 0 : i32
    %dma_start3A_20 = tpu.memref_slice %arg9[%dma_start3A_18, %dma_start3A_19] : memref<10240x16xf32, #tpu.memory_space<vmem_shared>> -> memref<10240x16xf32, #tpu.memory_space<vmem_shared>>
    tpu.enqueue_indirect_dma source(%dma_start3A_20 : memref<10240x16xf32, #tpu.memory_space<vmem_shared>>) target(%dma_start3A_14 : memref<2500x16xf32, #tpu.memory_space<vmem>>) offsets(%dma_start3A_17 : memref<2500xi32, #tpu.memory_space<vmem>>) semaphore(%arg11 : memref<!tpu.dma_semaphore, #tpu.memory_space<semaphore_mem>>)
    %dma_wait3A = arith.constant 0 : i32
    %dma_wait3A_21 = arith.constant 0 : i32
    %dma_wait3A_22 = arith.constant 0 : i32
    %dma_wait3A_23 = arith.constant 0 : i32
    %dma_wait3A_24 = tpu.memref_slice %arg8[%dma_wait3A_21, %dma_wait3A_22, %dma_wait3A_23] : memref<2x2500x16xf32, #tpu.memory_space<vmem>> -> memref<1x2500x16xf32, #tpu.memory_space<vmem>>
    %dma_wait3A_25 = tpu.memref_squeeze %dma_wait3A_24 : memref<1x2500x16xf32, #tpu.memory_space<vmem>> -> memref<2500x16xf32, #tpu.memory_space<vmem>>
    %dma_wait3A_26 = arith.constant 0 : i32
    %dma_wait3A_27 = tpu.memref_slice %arg6[%dma_wait3A, %dma_wait3A_26] : memref<4x2500xi32, #tpu.memory_space<vmem>> -> memref<1x2500xi32, #tpu.memory_space<vmem>>
    %dma_wait3A_28 = tpu.memref_squeeze %dma_wait3A_27 : memref<1x2500xi32, #tpu.memory_space<vmem>> -> memref<2500xi32, #tpu.memory_space<vmem>>
    %dma_wait3A_29 = arith.constant 0 : i32
    %dma_wait3A_30 = arith.constant 0 : i32
    %dma_wait3A_31 = tpu.memref_slice %arg9[%dma_wait3A_29, %dma_wait3A_30] : memref<10240x16xf32, #tpu.memory_space<vmem_shared>> -> memref<10240x16xf32, #tpu.memory_space<vmem_shared>>
    tpu.wait_indirect_dma semaphore(%arg11 : memref<!tpu.dma_semaphore, #tpu.memory_space<semaphore_mem>>) src(%dma_wait3A_31 : memref<10240x16xf32, #tpu.memory_space<vmem_shared>>) dst(%dma_wait3A_25 : memref<2500x16xf32, #tpu.memory_space<vmem>>)
    %dma_start3A_32 = arith.constant 0 : i32
    %dma_start3A_33 = arith.constant 0 : i32
    %dma_start3A_34 = arith.constant 0 : i32
    %dma_start3A_35 = arith.constant 0 : i32
    %dma_start3A_36 = tpu.memref_slice %arg8[%dma_start3A_32, %dma_start3A_34, %dma_start3A_35] : memref<2x2500x16xf32, #tpu.memory_space<vmem>> -> memref<1x2500x16xf32, #tpu.memory_space<vmem>>
    %dma_start3A_37 = tpu.memref_squeeze %dma_start3A_36 : memref<1x2500x16xf32, #tpu.memory_space<vmem>> -> memref<2500x16xf32, #tpu.memory_space<vmem>>
    %dma_start3A_38 = arith.constant 0 : i32
    %dma_start3A_39 = tpu.memref_slice %arg7[%dma_start3A_33, %dma_start3A_38] : memref<4x2500xi32, #tpu.memory_space<vmem>> -> memref<1x2500xi32, #tpu.memory_space<vmem>>
    %dma_start3A_40 = tpu.memref_squeeze %dma_start3A_39 : memref<1x2500xi32, #tpu.memory_space<vmem>> -> memref<2500xi32, #tpu.memory_space<vmem>>
    %dma_start3A_41 = arith.constant 0 : i32
    %dma_start3A_42 = arith.constant 0 : i32
    %dma_start3A_43 = tpu.memref_slice %arg10[%dma_start3A_41, %dma_start3A_42] : memref<10240x16xf32, #tpu.memory_space<vmem_shared>> -> memref<10240x16xf32, #tpu.memory_space<vmem_shared>>
    tpu.enqueue_indirect_dma source(%dma_start3A_37 : memref<2500x16xf32, #tpu.memory_space<vmem>>) target(%dma_start3A_43 : memref<10240x16xf32, #tpu.memory_space<vmem_shared>>) offsets(%dma_start3A_40 : memref<2500xi32, #tpu.memory_space<vmem>>) semaphore(%arg13 : memref<!tpu.dma_semaphore, #tpu.memory_space<semaphore_mem>>) {add = true}
    %dma_start3A_44 = arith.constant 1 : i32
    %dma_start3A_45 = arith.constant 1 : i32
    %dma_start3A_46 = arith.constant 0 : i32
    %dma_start3A_47 = arith.constant 0 : i32
    %dma_start3A_48 = tpu.memref_slice %arg8[%dma_start3A_45, %dma_start3A_46, %dma_start3A_47] : memref<2x2500x16xf32, #tpu.memory_space<vmem>> -> memref<1x2500x16xf32, #tpu.memory_space<vmem>>
    %dma_start3A_49 = tpu.memref_squeeze %dma_start3A_48 : memref<1x2500x16xf32, #tpu.memory_space<vmem>> -> memref<2500x16xf32, #tpu.memory_space<vmem>>
    %dma_start3A_50 = arith.constant 0 : i32
    %dma_start3A_51 = tpu.memref_slice %arg6[%dma_start3A_44, %dma_start3A_50] : memref<4x2500xi32, #tpu.memory_space<vmem>> -> memref<1x2500xi32, #tpu.memory_space<vmem>>
    %dma_start3A_52 = tpu.memref_squeeze %dma_start3A_51 : memref<1x2500xi32, #tpu.memory_space<vmem>> -> memref<2500xi32, #tpu.memory_space<vmem>>
    %dma_start3A_53 = arith.constant 0 : i32
    %dma_start3A_54 = arith.constant 0 : i32
    %dma_start3A_55 = tpu.memref_slice %arg9[%dma_start3A_53, %dma_start3A_54] : memref<10240x16xf32, #tpu.memory_space<vmem_shared>> -> memref<10240x16xf32, #tpu.memory_space<vmem_shared>>
    tpu.enqueue_indirect_dma source(%dma_start3A_55 : memref<10240x16xf32, #tpu.memory_space<vmem_shared>>) target(%dma_start3A_49 : memref<2500x16xf32, #tpu.memory_space<vmem>>) offsets(%dma_start3A_52 : memref<2500xi32, #tpu.memory_space<vmem>>) semaphore(%arg12 : memref<!tpu.dma_semaphore, #tpu.memory_space<semaphore_mem>>)
    %dma_wait3A_56 = arith.constant 1 : i32
    %dma_wait3A_57 = arith.constant 1 : i32
    %dma_wait3A_58 = arith.constant 0 : i32
    %dma_wait3A_59 = arith.constant 0 : i32
    %dma_wait3A_60 = tpu.memref_slice %arg8[%dma_wait3A_57, %dma_wait3A_58, %dma_wait3A_59] : memref<2x2500x16xf32, #tpu.memory_space<vmem>> -> memref<1x2500x16xf32, #tpu.memory_space<vmem>>
    %dma_wait3A_61 = tpu.memref_squeeze %dma_wait3A_60 : memref<1x2500x16xf32, #tpu.memory_space<vmem>> -> memref<2500x16xf32, #tpu.memory_space<vmem>>
    %dma_wait3A_62 = arith.constant 0 : i32
    %dma_wait3A_63 = tpu.memref_slice %arg6[%dma_wait3A_56, %dma_wait3A_62] : memref<4x2500xi32, #tpu.memory_space<vmem>> -> memref<1x2500xi32, #tpu.memory_space<vmem>>
    %dma_wait3A_64 = tpu.memref_squeeze %dma_wait3A_63 : memref<1x2500xi32, #tpu.memory_space<vmem>> -> memref<2500xi32, #tpu.memory_space<vmem>>
    %dma_wait3A_65 = arith.constant 0 : i32
    %dma_wait3A_66 = arith.constant 0 : i32
    %dma_wait3A_67 = tpu.memref_slice %arg9[%dma_wait3A_65, %dma_wait3A_66] : memref<10240x16xf32, #tpu.memory_space<vmem_shared>> -> memref<10240x16xf32, #tpu.memory_space<vmem_shared>>
    tpu.wait_indirect_dma semaphore(%arg12 : memref<!tpu.dma_semaphore, #tpu.memory_space<semaphore_mem>>) src(%dma_wait3A_67 : memref<10240x16xf32, #tpu.memory_space<vmem_shared>>) dst(%dma_wait3A_61 : memref<2500x16xf32, #tpu.memory_space<vmem>>)
    %dma_start3A_68 = arith.constant 1 : i32
    %dma_start3A_69 = arith.constant 1 : i32
    %dma_start3A_70 = arith.constant 0 : i32
    %dma_start3A_71 = arith.constant 0 : i32
    %dma_start3A_72 = tpu.memref_slice %arg8[%dma_start3A_68, %dma_start3A_70, %dma_start3A_71] : memref<2x2500x16xf32, #tpu.memory_space<vmem>> -> memref<1x2500x16xf32, #tpu.memory_space<vmem>>
    %dma_start3A_73 = tpu.memref_squeeze %dma_start3A_72 : memref<1x2500x16xf32, #tpu.memory_space<vmem>> -> memref<2500x16xf32, #tpu.memory_space<vmem>>
    %dma_start3A_74 = arith.constant 0 : i32
    %dma_start3A_75 = tpu.memref_slice %arg7[%dma_start3A_69, %dma_start3A_74] : memref<4x2500xi32, #tpu.memory_space<vmem>> -> memref<1x2500xi32, #tpu.memory_space<vmem>>
    %dma_start3A_76 = tpu.memref_squeeze %dma_start3A_75 : memref<1x2500xi32, #tpu.memory_space<vmem>> -> memref<2500xi32, #tpu.memory_space<vmem>>
    %dma_start3A_77 = arith.constant 0 : i32
    %dma_start3A_78 = arith.constant 0 : i32
    %dma_start3A_79 = tpu.memref_slice %arg10[%dma_start3A_77, %dma_start3A_78] : memref<10240x16xf32, #tpu.memory_space<vmem_shared>> -> memref<10240x16xf32, #tpu.memory_space<vmem_shared>>
    tpu.enqueue_indirect_dma source(%dma_start3A_73 : memref<2500x16xf32, #tpu.memory_space<vmem>>) target(%dma_start3A_79 : memref<10240x16xf32, #tpu.memory_space<vmem_shared>>) offsets(%dma_start3A_76 : memref<2500xi32, #tpu.memory_space<vmem>>) semaphore(%arg14 : memref<!tpu.dma_semaphore, #tpu.memory_space<semaphore_mem>>) {add = true}
    %dma_wait3A_80 = arith.constant 0 : i32
    %dma_wait3A_81 = arith.constant 0 : i32
    %dma_wait3A_82 = arith.constant 0 : i32
    %dma_wait3A_83 = arith.constant 0 : i32
    %dma_wait3A_84 = tpu.memref_slice %arg8[%dma_wait3A_80, %dma_wait3A_82, %dma_wait3A_83] : memref<2x2500x16xf32, #tpu.memory_space<vmem>> -> memref<1x2500x16xf32, #tpu.memory_space<vmem>>
    %dma_wait3A_85 = tpu.memref_squeeze %dma_wait3A_84 : memref<1x2500x16xf32, #tpu.memory_space<vmem>> -> memref<2500x16xf32, #tpu.memory_space<vmem>>
    %dma_wait3A_86 = arith.constant 0 : i32
    %dma_wait3A_87 = tpu.memref_slice %arg7[%dma_wait3A_81, %dma_wait3A_86] : memref<4x2500xi32, #tpu.memory_space<vmem>> -> memref<1x2500xi32, #tpu.memory_space<vmem>>
    %dma_wait3A_88 = tpu.memref_squeeze %dma_wait3A_87 : memref<1x2500xi32, #tpu.memory_space<vmem>> -> memref<2500xi32, #tpu.memory_space<vmem>>
    %dma_wait3A_89 = arith.constant 0 : i32
    %dma_wait3A_90 = arith.constant 0 : i32
    %dma_wait3A_91 = tpu.memref_slice %arg10[%dma_wait3A_89, %dma_wait3A_90] : memref<10240x16xf32, #tpu.memory_space<vmem_shared>> -> memref<10240x16xf32, #tpu.memory_space<vmem_shared>>
    tpu.wait_indirect_dma semaphore(%arg13 : memref<!tpu.dma_semaphore, #tpu.memory_space<semaphore_mem>>) src(%dma_wait3A_85 : memref<2500x16xf32, #tpu.memory_space<vmem>>) dst(%dma_wait3A_91 : memref<10240x16xf32, #tpu.memory_space<vmem_shared>>)
    %dma_start3A_92 = arith.constant 2 : i32
    %dma_start3A_93 = arith.constant 0 : i32
    %dma_start3A_94 = arith.constant 0 : i32
    %dma_start3A_95 = arith.constant 0 : i32
    %dma_start3A_96 = tpu.memref_slice %arg8[%dma_start3A_93, %dma_start3A_94, %dma_start3A_95] : memref<2x2500x16xf32, #tpu.memory_space<vmem>> -> memref<1x2500x16xf32, #tpu.memory_space<vmem>>
    %dma_start3A_97 = tpu.memref_squeeze %dma_start3A_96 : memref<1x2500x16xf32, #tpu.memory_space<vmem>> -> memref<2500x16xf32, #tpu.memory_space<vmem>>
    %dma_start3A_98 = arith.constant 0 : i32
    %dma_start3A_99 = tpu.memref_slice %arg6[%dma_start3A_92, %dma_start3A_98] : memref<4x2500xi32, #tpu.memory_space<vmem>> -> memref<1x2500xi32, #tpu.memory_space<vmem>>
    %dma_start3A_100 = tpu.memref_squeeze %dma_start3A_99 : memref<1x2500xi32, #tpu.memory_space<vmem>> -> memref<2500xi32, #tpu.memory_space<vmem>>
    %dma_start3A_101 = arith.constant 0 : i32
    %dma_start3A_102 = arith.constant 0 : i32
    %dma_start3A_103 = tpu.memref_slice %arg9[%dma_start3A_101, %dma_start3A_102] : memref<10240x16xf32, #tpu.memory_space<vmem_shared>> -> memref<10240x16xf32, #tpu.memory_space<vmem_shared>>
    tpu.enqueue_indirect_dma source(%dma_start3A_103 : memref<10240x16xf32, #tpu.memory_space<vmem_shared>>) target(%dma_start3A_97 : memref<2500x16xf32, #tpu.memory_space<vmem>>) offsets(%dma_start3A_100 : memref<2500xi32, #tpu.memory_space<vmem>>) semaphore(%arg11 : memref<!tpu.dma_semaphore, #tpu.memory_space<semaphore_mem>>)
    %dma_wait3A_104 = arith.constant 2 : i32
    %dma_wait3A_105 = arith.constant 0 : i32
    %dma_wait3A_106 = arith.constant 0 : i32
    %dma_wait3A_107 = arith.constant 0 : i32
    %dma_wait3A_108 = tpu.memref_slice %arg8[%dma_wait3A_105, %dma_wait3A_106, %dma_wait3A_107] : memref<2x2500x16xf32, #tpu.memory_space<vmem>> -> memref<1x2500x16xf32, #tpu.memory_space<vmem>>
    %dma_wait3A_109 = tpu.memref_squeeze %dma_wait3A_108 : memref<1x2500x16xf32, #tpu.memory_space<vmem>> -> memref<2500x16xf32, #tpu.memory_space<vmem>>
    %dma_wait3A_110 = arith.constant 0 : i32
    %dma_wait3A_111 = tpu.memref_slice %arg6[%dma_wait3A_104, %dma_wait3A_110] : memref<4x2500xi32, #tpu.memory_space<vmem>> -> memref<1x2500xi32, #tpu.memory_space<vmem>>
    %dma_wait3A_112 = tpu.memref_squeeze %dma_wait3A_111 : memref<1x2500xi32, #tpu.memory_space<vmem>> -> memref<2500xi32, #tpu.memory_space<vmem>>
    %dma_wait3A_113 = arith.constant 0 : i32
    %dma_wait3A_114 = arith.constant 0 : i32
    %dma_wait3A_115 = tpu.memref_slice %arg9[%dma_wait3A_113, %dma_wait3A_114] : memref<10240x16xf32, #tpu.memory_space<vmem_shared>> -> memref<10240x16xf32, #tpu.memory_space<vmem_shared>>
    tpu.wait_indirect_dma semaphore(%arg11 : memref<!tpu.dma_semaphore, #tpu.memory_space<semaphore_mem>>) src(%dma_wait3A_115 : memref<10240x16xf32, #tpu.memory_space<vmem_shared>>) dst(%dma_wait3A_109 : memref<2500x16xf32, #tpu.memory_space<vmem>>)
    %dma_start3A_116 = arith.constant 0 : i32
    %dma_start3A_117 = arith.constant 2 : i32
    %dma_start3A_118 = arith.constant 0 : i32
    %dma_start3A_119 = arith.constant 0 : i32
    %dma_start3A_120 = tpu.memref_slice %arg8[%dma_start3A_116, %dma_start3A_118, %dma_start3A_119] : memref<2x2500x16xf32, #tpu.memory_space<vmem>> -> memref<1x2500x16xf32, #tpu.memory_space<vmem>>
    %dma_start3A_121 = tpu.memref_squeeze %dma_start3A_120 : memref<1x2500x16xf32, #tpu.memory_space<vmem>> -> memref<2500x16xf32, #tpu.memory_space<vmem>>
    %dma_start3A_122 = arith.constant 0 : i32
    %dma_start3A_123 = tpu.memref_slice %arg7[%dma_start3A_117, %dma_start3A_122] : memref<4x2500xi32, #tpu.memory_space<vmem>> -> memref<1x2500xi32, #tpu.memory_space<vmem>>
    %dma_start3A_124 = tpu.memref_squeeze %dma_start3A_123 : memref<1x2500xi32, #tpu.memory_space<vmem>> -> memref<2500xi32, #tpu.memory_space<vmem>>
    %dma_start3A_125 = arith.constant 0 : i32
    %dma_start3A_126 = arith.constant 0 : i32
    %dma_start3A_127 = tpu.memref_slice %arg10[%dma_start3A_125, %dma_start3A_126] : memref<10240x16xf32, #tpu.memory_space<vmem_shared>> -> memref<10240x16xf32, #tpu.memory_space<vmem_shared>>
    tpu.enqueue_indirect_dma source(%dma_start3A_121 : memref<2500x16xf32, #tpu.memory_space<vmem>>) target(%dma_start3A_127 : memref<10240x16xf32, #tpu.memory_space<vmem_shared>>) offsets(%dma_start3A_124 : memref<2500xi32, #tpu.memory_space<vmem>>) semaphore(%arg13 : memref<!tpu.dma_semaphore, #tpu.memory_space<semaphore_mem>>) {add = true}
    %dma_wait3A_128 = arith.constant 1 : i32
    %dma_wait3A_129 = arith.constant 1 : i32
    %dma_wait3A_130 = arith.constant 0 : i32
    %dma_wait3A_131 = arith.constant 0 : i32
    %dma_wait3A_132 = tpu.memref_slice %arg8[%dma_wait3A_128, %dma_wait3A_130, %dma_wait3A_131] : memref<2x2500x16xf32, #tpu.memory_space<vmem>> -> memref<1x2500x16xf32, #tpu.memory_space<vmem>>
    %dma_wait3A_133 = tpu.memref_squeeze %dma_wait3A_132 : memref<1x2500x16xf32, #tpu.memory_space<vmem>> -> memref<2500x16xf32, #tpu.memory_space<vmem>>
    %dma_wait3A_134 = arith.constant 0 : i32
    %dma_wait3A_135 = tpu.memref_slice %arg7[%dma_wait3A_129, %dma_wait3A_134] : memref<4x2500xi32, #tpu.memory_space<vmem>> -> memref<1x2500xi32, #tpu.memory_space<vmem>>
    %dma_wait3A_136 = tpu.memref_squeeze %dma_wait3A_135 : memref<1x2500xi32, #tpu.memory_space<vmem>> -> memref<2500xi32, #tpu.memory_space<vmem>>
    %dma_wait3A_137 = arith.constant 0 : i32
    %dma_wait3A_138 = arith.constant 0 : i32
    %dma_wait3A_139 = tpu.memref_slice %arg10[%dma_wait3A_137, %dma_wait3A_138] : memref<10240x16xf32, #tpu.memory_space<vmem_shared>> -> memref<10240x16xf32, #tpu.memory_space<vmem_shared>>
    tpu.wait_indirect_dma semaphore(%arg14 : memref<!tpu.dma_semaphore, #tpu.memory_space<semaphore_mem>>) src(%dma_wait3A_133 : memref<2500x16xf32, #tpu.memory_space<vmem>>) dst(%dma_wait3A_139 : memref<10240x16xf32, #tpu.memory_space<vmem_shared>>)
    %dma_start3A_140 = arith.constant 3 : i32
    %dma_start3A_141 = arith.constant 1 : i32
    %dma_start3A_142 = arith.constant 0 : i32
    %dma_start3A_143 = arith.constant 0 : i32
    %dma_start3A_144 = tpu.memref_slice %arg8[%dma_start3A_141, %dma_start3A_142, %dma_start3A_143] : memref<2x2500x16xf32, #tpu.memory_space<vmem>> -> memref<1x2500x16xf32, #tpu.memory_space<vmem>>
    %dma_start3A_145 = tpu.memref_squeeze %dma_start3A_144 : memref<1x2500x16xf32, #tpu.memory_space<vmem>> -> memref<2500x16xf32, #tpu.memory_space<vmem>>
    %dma_start3A_146 = arith.constant 0 : i32
    %dma_start3A_147 = tpu.memref_slice %arg6[%dma_start3A_140, %dma_start3A_146] : memref<4x2500xi32, #tpu.memory_space<vmem>> -> memref<1x2500xi32, #tpu.memory_space<vmem>>
    %dma_start3A_148 = tpu.memref_squeeze %dma_start3A_147 : memref<1x2500xi32, #tpu.memory_space<vmem>> -> memref<2500xi32, #tpu.memory_space<vmem>>
    %dma_start3A_149 = arith.constant 0 : i32
    %dma_start3A_150 = arith.constant 0 : i32
    %dma_start3A_151 = tpu.memref_slice %arg9[%dma_start3A_149, %dma_start3A_150] : memref<10240x16xf32, #tpu.memory_space<vmem_shared>> -> memref<10240x16xf32, #tpu.memory_space<vmem_shared>>
    tpu.enqueue_indirect_dma source(%dma_start3A_151 : memref<10240x16xf32, #tpu.memory_space<vmem_shared>>) target(%dma_start3A_145 : memref<2500x16xf32, #tpu.memory_space<vmem>>) offsets(%dma_start3A_148 : memref<2500xi32, #tpu.memory_space<vmem>>) semaphore(%arg12 : memref<!tpu.dma_semaphore, #tpu.memory_space<semaphore_mem>>)
    %dma_wait3A_152 = arith.constant 3 : i32
    %dma_wait3A_153 = arith.constant 1 : i32
    %dma_wait3A_154 = arith.constant 0 : i32
    %dma_wait3A_155 = arith.constant 0 : i32
    %dma_wait3A_156 = tpu.memref_slice %arg8[%dma_wait3A_153, %dma_wait3A_154, %dma_wait3A_155] : memref<2x2500x16xf32, #tpu.memory_space<vmem>> -> memref<1x2500x16xf32, #tpu.memory_space<vmem>>
    %dma_wait3A_157 = tpu.memref_squeeze %dma_wait3A_156 : memref<1x2500x16xf32, #tpu.memory_space<vmem>> -> memref<2500x16xf32, #tpu.memory_space<vmem>>
    %dma_wait3A_158 = arith.constant 0 : i32
    %dma_wait3A_159 = tpu.memref_slice %arg6[%dma_wait3A_152, %dma_wait3A_158] : memref<4x2500xi32, #tpu.memory_space<vmem>> -> memref<1x2500xi32, #tpu.memory_space<vmem>>
    %dma_wait3A_160 = tpu.memref_squeeze %dma_wait3A_159 : memref<1x2500xi32, #tpu.memory_space<vmem>> -> memref<2500xi32, #tpu.memory_space<vmem>>
    %dma_wait3A_161 = arith.constant 0 : i32
    %dma_wait3A_162 = arith.constant 0 : i32
    %dma_wait3A_163 = tpu.memref_slice %arg9[%dma_wait3A_161, %dma_wait3A_162] : memref<10240x16xf32, #tpu.memory_space<vmem_shared>> -> memref<10240x16xf32, #tpu.memory_space<vmem_shared>>
    tpu.wait_indirect_dma semaphore(%arg12 : memref<!tpu.dma_semaphore, #tpu.memory_space<semaphore_mem>>) src(%dma_wait3A_163 : memref<10240x16xf32, #tpu.memory_space<vmem_shared>>) dst(%dma_wait3A_157 : memref<2500x16xf32, #tpu.memory_space<vmem>>)
    %dma_start3A_164 = arith.constant 1 : i32
    %dma_start3A_165 = arith.constant 3 : i32
    %dma_start3A_166 = arith.constant 0 : i32
    %dma_start3A_167 = arith.constant 0 : i32
    %dma_start3A_168 = tpu.memref_slice %arg8[%dma_start3A_164, %dma_start3A_166, %dma_start3A_167] : memref<2x2500x16xf32, #tpu.memory_space<vmem>> -> memref<1x2500x16xf32, #tpu.memory_space<vmem>>
    %dma_start3A_169 = tpu.memref_squeeze %dma_start3A_168 : memref<1x2500x16xf32, #tpu.memory_space<vmem>> -> memref<2500x16xf32, #tpu.memory_space<vmem>>
    %dma_start3A_170 = arith.constant 0 : i32
    %dma_start3A_171 = tpu.memref_slice %arg7[%dma_start3A_165, %dma_start3A_170] : memref<4x2500xi32, #tpu.memory_space<vmem>> -> memref<1x2500xi32, #tpu.memory_space<vmem>>
    %dma_start3A_172 = tpu.memref_squeeze %dma_start3A_171 : memref<1x2500xi32, #tpu.memory_space<vmem>> -> memref<2500xi32, #tpu.memory_space<vmem>>
    %dma_start3A_173 = arith.constant 0 : i32
    %dma_start3A_174 = arith.constant 0 : i32
    %dma_start3A_175 = tpu.memref_slice %arg10[%dma_start3A_173, %dma_start3A_174] : memref<10240x16xf32, #tpu.memory_space<vmem_shared>> -> memref<10240x16xf32, #tpu.memory_space<vmem_shared>>
    tpu.enqueue_indirect_dma source(%dma_start3A_169 : memref<2500x16xf32, #tpu.memory_space<vmem>>) target(%dma_start3A_175 : memref<10240x16xf32, #tpu.memory_space<vmem_shared>>) offsets(%dma_start3A_172 : memref<2500xi32, #tpu.memory_space<vmem>>) semaphore(%arg14 : memref<!tpu.dma_semaphore, #tpu.memory_space<semaphore_mem>>) {add = true}
    %dma_wait3A_176 = arith.constant 0 : i32
    %dma_wait3A_177 = arith.constant 2 : i32
    %dma_wait3A_178 = arith.constant 0 : i32
    %dma_wait3A_179 = arith.constant 0 : i32
    %dma_wait3A_180 = tpu.memref_slice %arg8[%dma_wait3A_176, %dma_wait3A_178, %dma_wait3A_179] : memref<2x2500x16xf32, #tpu.memory_space<vmem>> -> memref<1x2500x16xf32, #tpu.memory_space<vmem>>
    %dma_wait3A_181 = tpu.memref_squeeze %dma_wait3A_180 : memref<1x2500x16xf32, #tpu.memory_space<vmem>> -> memref<2500x16xf32, #tpu.memory_space<vmem>>
    %dma_wait3A_182 = arith.constant 0 : i32
    %dma_wait3A_183 = tpu.memref_slice %arg7[%dma_wait3A_177, %dma_wait3A_182] : memref<4x2500xi32, #tpu.memory_space<vmem>> -> memref<1x2500xi32, #tpu.memory_space<vmem>>
    %dma_wait3A_184 = tpu.memref_squeeze %dma_wait3A_183 : memref<1x2500xi32, #tpu.memory_space<vmem>> -> memref<2500xi32, #tpu.memory_space<vmem>>
    %dma_wait3A_185 = arith.constant 0 : i32
    %dma_wait3A_186 = arith.constant 0 : i32
    %dma_wait3A_187 = tpu.memref_slice %arg10[%dma_wait3A_185, %dma_wait3A_186] : memref<10240x16xf32, #tpu.memory_space<vmem_shared>> -> memref<10240x16xf32, #tpu.memory_space<vmem_shared>>
    tpu.wait_indirect_dma semaphore(%arg13 : memref<!tpu.dma_semaphore, #tpu.memory_space<semaphore_mem>>) src(%dma_wait3A_181 : memref<2500x16xf32, #tpu.memory_space<vmem>>) dst(%dma_wait3A_187 : memref<10240x16xf32, #tpu.memory_space<vmem_shared>>)
    %dma_wait3A_188 = arith.constant 1 : i32
    %dma_wait3A_189 = arith.constant 3 : i32
    %dma_wait3A_190 = arith.constant 0 : i32
    %dma_wait3A_191 = arith.constant 0 : i32
    %dma_wait3A_192 = tpu.memref_slice %arg8[%dma_wait3A_188, %dma_wait3A_190, %dma_wait3A_191] : memref<2x2500x16xf32, #tpu.memory_space<vmem>> -> memref<1x2500x16xf32, #tpu.memory_space<vmem>>
    %dma_wait3A_193 = tpu.memref_squeeze %dma_wait3A_192 : memref<1x2500x16xf32, #tpu.memory_space<vmem>> -> memref<2500x16xf32, #tpu.memory_space<vmem>>
    %dma_wait3A_194 = arith.constant 0 : i32
    %dma_wait3A_195 = tpu.memref_slice %arg7[%dma_wait3A_189, %dma_wait3A_194] : memref<4x2500xi32, #tpu.memory_space<vmem>> -> memref<1x2500xi32, #tpu.memory_space<vmem>>
    %dma_wait3A_196 = tpu.memref_squeeze %dma_wait3A_195 : memref<1x2500xi32, #tpu.memory_space<vmem>> -> memref<2500xi32, #tpu.memory_space<vmem>>
    %dma_wait3A_197 = arith.constant 0 : i32
    %dma_wait3A_198 = arith.constant 0 : i32
    %dma_wait3A_199 = tpu.memref_slice %arg10[%dma_wait3A_197, %dma_wait3A_198] : memref<10240x16xf32, #tpu.memory_space<vmem_shared>> -> memref<10240x16xf32, #tpu.memory_space<vmem_shared>>
    tpu.wait_indirect_dma semaphore(%arg14 : memref<!tpu.dma_semaphore, #tpu.memory_space<semaphore_mem>>) src(%dma_wait3A_193 : memref<2500x16xf32, #tpu.memory_space<vmem>>) dst(%dma_wait3A_199 : memref<10240x16xf32, #tpu.memory_space<vmem_shared>>)
    %barrier3A_200 = arith.constant 0 : index
    tpu.barrier barrier_id(%barrier3A_200)
    %mul3A_201 = arith.constant 640 : i32
    %mul3A_202 = arith.muli %arg1, %mul3A_201 : i32
    %mul3A_203 = arith.constant 640 : i32
    %mul3A_204 = arith.muli %arg1, %mul3A_203 : i32
    "tpu.region"() ({
      %run_scoped3A_205 = tpu.sem_alloc : memref<!tpu.dma_semaphore, #tpu.memory_space<semaphore_mem>>
      %dma_start3A_206 = arith.constant 0 : i32
      %dma_start3A_207 = tpu.memref_slice %arg5[%arg0, %mul3A_204, %dma_start3A_206] : memref<2x10240x16xf32, #tpu.memory_space<hbm>> -> memref<1x640x16xf32, #tpu.memory_space<hbm>>
      %dma_start3A_208 = tpu.memref_squeeze %dma_start3A_207 : memref<1x640x16xf32, #tpu.memory_space<hbm>> -> memref<640x16xf32, #tpu.memory_space<hbm>>
      %dma_start3A_209 = arith.constant 0 : i32
      %dma_start3A_210 = tpu.memref_slice %arg10[%mul3A_202, %dma_start3A_209] : memref<10240x16xf32, #tpu.memory_space<vmem_shared>> -> memref<640x16xf32, #tpu.memory_space<vmem_shared>>
      tpu.enqueue_dma source(%dma_start3A_210 : memref<640x16xf32, #tpu.memory_space<vmem_shared>>) target(%dma_start3A_208 : memref<640x16xf32, #tpu.memory_space<hbm>>) target_semaphore(%run_scoped3A_205 : memref<!tpu.dma_semaphore, #tpu.memory_space<semaphore_mem>>)
      %dma_wait3A_211 = arith.constant 0 : i32
      %dma_wait3A_212 = tpu.memref_slice %arg5[%arg0, %mul3A_204, %dma_wait3A_211] : memref<2x10240x16xf32, #tpu.memory_space<hbm>> -> memref<1x640x16xf32, #tpu.memory_space<hbm>>
      %dma_wait3A_213 = tpu.memref_squeeze %dma_wait3A_212 : memref<1x640x16xf32, #tpu.memory_space<hbm>> -> memref<640x16xf32, #tpu.memory_space<hbm>>
      %dma_wait3A_214 = arith.constant 0 : i32
      %dma_wait3A_215 = tpu.memref_slice %arg10[%mul3A_202, %dma_wait3A_214] : memref<10240x16xf32, #tpu.memory_space<vmem_shared>> -> memref<640x16xf32, #tpu.memory_space<vmem_shared>>
      tpu.wait_dma2 semaphore(%run_scoped3A_205 : memref<!tpu.dma_semaphore, #tpu.memory_space<semaphore_mem>>) src(%dma_wait3A_215 : memref<640x16xf32, #tpu.memory_space<vmem_shared>>) dst(%dma_wait3A_213 : memref<640x16xf32, #tpu.memory_space<hbm>>)
      tpu.yield
    }) : () -> ()
    return
  }
}

#map = affine_map<(d0, d1) -> (0, 0, 0, 0)>
#map1 = affine_map<(d0, d1) -> (0, 0)>
#map2 = affine_map<(d0, d1) -> (0, 0, 0)>
module attributes {stable_mosaic.version = 14 : i64} {
  func.func @_sc_degree(%arg0: i32, %arg1: i32, %arg2: memref<2x32x4x2500xi32, #tpu.memory_space<hbm>>, %arg3: memref<10240x16xf32, #tpu.memory_space<hbm>>, %arg4: memref<2500x16xf32, #tpu.memory_space<hbm>>, %arg5: memref<2x10240x16xf32, #tpu.memory_space<hbm>>, %arg6: memref<4x2500xi32, #tpu.memory_space<vmem>>, %arg7: memref<2500x16xf32, #tpu.memory_space<vmem>>, %arg8: memref<10240x16xf32, #tpu.memory_space<vmem_shared>>, %arg9: memref<!tpu.dma_semaphore, #tpu.memory_space<semaphore_mem>>) attributes {dimension_semantics = [#tpu.dimension_semantics<core_parallel>, #tpu.dimension_semantics<subcore_parallel>], iteration_bounds = array<i64: 2, 16>, scalar_prefetch = 0 : i64, scratch_operands = 4 : i64, tpu.core_type = #tpu.core_type<sc_vector_subcore>, window_params = [{transform_indices = #map}, {transform_indices = #map1}, {transform_indices = #map1}, {transform_indices = #map2}]} {
    %mul3A = arith.constant 16 : i32
    %mul3A_0 = arith.muli %arg0, %mul3A : i32
    %add3A = arith.addi %mul3A_0, %arg1 : i32
    %run_scoped3A = arith.constant 1 : i32
    "tpu.region"() ({
      %run_scoped3A_64 = tpu.sem_alloc : memref<!tpu.dma_semaphore, #tpu.memory_space<semaphore_mem>>
      %dma_start3A_65 = arith.constant 0 : i32
      %dma_start3A_66 = arith.constant 0 : i32
      %dma_start3A_67 = tpu.memref_slice %arg2[%run_scoped3A, %add3A, %dma_start3A_65, %dma_start3A_66] : memref<2x32x4x2500xi32, #tpu.memory_space<hbm>> -> memref<1x1x4x2500xi32, #tpu.memory_space<hbm>>
      %dma_start3A_68 = tpu.memref_squeeze %dma_start3A_67 : memref<1x1x4x2500xi32, #tpu.memory_space<hbm>> -> memref<4x2500xi32, #tpu.memory_space<hbm>>
      %dma_start3A_69 = arith.constant 0 : i32
      %dma_start3A_70 = arith.constant 0 : i32
      %dma_start3A_71 = tpu.memref_slice %arg2[%run_scoped3A, %add3A, %dma_start3A_69, %dma_start3A_70] : memref<2x32x4x2500xi32, #tpu.memory_space<hbm>> -> memref<1x1x4x2500xi32, #tpu.memory_space<hbm>>
      %dma_start3A_72 = tpu.memref_squeeze %dma_start3A_71 : memref<1x1x4x2500xi32, #tpu.memory_space<hbm>> -> memref<4x2500xi32, #tpu.memory_space<hbm>>
      tpu.enqueue_dma source(%dma_start3A_72 : memref<4x2500xi32, #tpu.memory_space<hbm>>) target(%arg6 : memref<4x2500xi32, #tpu.memory_space<vmem>>) target_semaphore(%run_scoped3A_64 : memref<!tpu.dma_semaphore, #tpu.memory_space<semaphore_mem>>)
      %dma_wait3A_73 = arith.constant 0 : i32
      %dma_wait3A_74 = arith.constant 0 : i32
      %dma_wait3A_75 = tpu.memref_slice %arg2[%run_scoped3A, %add3A, %dma_wait3A_73, %dma_wait3A_74] : memref<2x32x4x2500xi32, #tpu.memory_space<hbm>> -> memref<1x1x4x2500xi32, #tpu.memory_space<hbm>>
      %dma_wait3A_76 = tpu.memref_squeeze %dma_wait3A_75 : memref<1x1x4x2500xi32, #tpu.memory_space<hbm>> -> memref<4x2500xi32, #tpu.memory_space<hbm>>
      %dma_wait3A_77 = arith.constant 0 : i32
      %dma_wait3A_78 = arith.constant 0 : i32
      %dma_wait3A_79 = tpu.memref_slice %arg2[%run_scoped3A, %add3A, %dma_wait3A_77, %dma_wait3A_78] : memref<2x32x4x2500xi32, #tpu.memory_space<hbm>> -> memref<1x1x4x2500xi32, #tpu.memory_space<hbm>>
      %dma_wait3A_80 = tpu.memref_squeeze %dma_wait3A_79 : memref<1x1x4x2500xi32, #tpu.memory_space<hbm>> -> memref<4x2500xi32, #tpu.memory_space<hbm>>
      tpu.wait_dma2 semaphore(%run_scoped3A_64 : memref<!tpu.dma_semaphore, #tpu.memory_space<semaphore_mem>>) src(%dma_wait3A_80 : memref<4x2500xi32, #tpu.memory_space<hbm>>) dst(%arg6 : memref<4x2500xi32, #tpu.memory_space<vmem>>)
      tpu.yield
    }) : () -> ()
    "tpu.region"() ({
      %run_scoped3A_64 = tpu.sem_alloc : memref<!tpu.dma_semaphore, #tpu.memory_space<semaphore_mem>>
      tpu.enqueue_dma source(%arg4 : memref<2500x16xf32, #tpu.memory_space<hbm>>) target(%arg7 : memref<2500x16xf32, #tpu.memory_space<vmem>>) target_semaphore(%run_scoped3A_64 : memref<!tpu.dma_semaphore, #tpu.memory_space<semaphore_mem>>)
      tpu.wait_dma2 semaphore(%run_scoped3A_64 : memref<!tpu.dma_semaphore, #tpu.memory_space<semaphore_mem>>) src(%arg4 : memref<2500x16xf32, #tpu.memory_space<hbm>>) dst(%arg7 : memref<2500x16xf32, #tpu.memory_space<vmem>>)
      tpu.yield
    }) : () -> ()
    %mul3A_1 = arith.constant 640 : i32
    %mul3A_2 = arith.muli %arg1, %mul3A_1 : i32
    %mul3A_3 = arith.constant 640 : i32
    %mul3A_4 = arith.muli %arg1, %mul3A_3 : i32
    "tpu.region"() ({
      %run_scoped3A_64 = tpu.sem_alloc : memref<!tpu.dma_semaphore, #tpu.memory_space<semaphore_mem>>
      %dma_start3A_65 = arith.constant 0 : i32
      %dma_start3A_66 = tpu.memref_slice %arg8[%mul3A_4, %dma_start3A_65] : memref<10240x16xf32, #tpu.memory_space<vmem_shared>> -> memref<640x16xf32, #tpu.memory_space<vmem_shared>>
      %dma_start3A_67 = arith.constant 0 : i32
      %dma_start3A_68 = tpu.memref_slice %arg3[%mul3A_2, %dma_start3A_67] : memref<10240x16xf32, #tpu.memory_space<hbm>> -> memref<640x16xf32, #tpu.memory_space<hbm>>
      tpu.enqueue_dma source(%dma_start3A_68 : memref<640x16xf32, #tpu.memory_space<hbm>>) target(%dma_start3A_66 : memref<640x16xf32, #tpu.memory_space<vmem_shared>>) target_semaphore(%run_scoped3A_64 : memref<!tpu.dma_semaphore, #tpu.memory_space<semaphore_mem>>)
      %dma_wait3A_69 = arith.constant 0 : i32
      %dma_wait3A_70 = tpu.memref_slice %arg8[%mul3A_4, %dma_wait3A_69] : memref<10240x16xf32, #tpu.memory_space<vmem_shared>> -> memref<640x16xf32, #tpu.memory_space<vmem_shared>>
      %dma_wait3A_71 = arith.constant 0 : i32
      %dma_wait3A_72 = tpu.memref_slice %arg3[%mul3A_2, %dma_wait3A_71] : memref<10240x16xf32, #tpu.memory_space<hbm>> -> memref<640x16xf32, #tpu.memory_space<hbm>>
      tpu.wait_dma2 semaphore(%run_scoped3A_64 : memref<!tpu.dma_semaphore, #tpu.memory_space<semaphore_mem>>) src(%dma_wait3A_72 : memref<640x16xf32, #tpu.memory_space<hbm>>) dst(%dma_wait3A_70 : memref<640x16xf32, #tpu.memory_space<vmem_shared>>)
      tpu.yield
    }) : () -> ()
    %barrier3A = arith.constant 0 : index
    tpu.barrier barrier_id(%barrier3A)
    %dma_start3A = arith.constant 0 : i32
    %dma_start3A_5 = arith.constant 0 : i32
    %dma_start3A_6 = tpu.memref_slice %arg6[%dma_start3A, %dma_start3A_5] : memref<4x2500xi32, #tpu.memory_space<vmem>> -> memref<1x2500xi32, #tpu.memory_space<vmem>>
    %dma_start3A_7 = tpu.memref_squeeze %dma_start3A_6 : memref<1x2500xi32, #tpu.memory_space<vmem>> -> memref<2500xi32, #tpu.memory_space<vmem>>
    %dma_start3A_8 = arith.constant 0 : i32
    %dma_start3A_9 = arith.constant 0 : i32
    %dma_start3A_10 = tpu.memref_slice %arg8[%dma_start3A_8, %dma_start3A_9] : memref<10240x16xf32, #tpu.memory_space<vmem_shared>> -> memref<10240x16xf32, #tpu.memory_space<vmem_shared>>
    tpu.enqueue_indirect_dma source(%arg7 : memref<2500x16xf32, #tpu.memory_space<vmem>>) target(%dma_start3A_10 : memref<10240x16xf32, #tpu.memory_space<vmem_shared>>) offsets(%dma_start3A_7 : memref<2500xi32, #tpu.memory_space<vmem>>) semaphore(%arg9 : memref<!tpu.dma_semaphore, #tpu.memory_space<semaphore_mem>>) {add = true}
    %dma_start3A_11 = arith.constant 1 : i32
    %dma_start3A_12 = arith.constant 0 : i32
    %dma_start3A_13 = tpu.memref_slice %arg6[%dma_start3A_11, %dma_start3A_12] : memref<4x2500xi32, #tpu.memory_space<vmem>> -> memref<1x2500xi32, #tpu.memory_space<vmem>>
    %dma_start3A_14 = tpu.memref_squeeze %dma_start3A_13 : memref<1x2500xi32, #tpu.memory_space<vmem>> -> memref<2500xi32, #tpu.memory_space<vmem>>
    %dma_start3A_15 = arith.constant 0 : i32
    %dma_start3A_16 = arith.constant 0 : i32
    %dma_start3A_17 = tpu.memref_slice %arg8[%dma_start3A_15, %dma_start3A_16] : memref<10240x16xf32, #tpu.memory_space<vmem_shared>> -> memref<10240x16xf32, #tpu.memory_space<vmem_shared>>
    tpu.enqueue_indirect_dma source(%arg7 : memref<2500x16xf32, #tpu.memory_space<vmem>>) target(%dma_start3A_17 : memref<10240x16xf32, #tpu.memory_space<vmem_shared>>) offsets(%dma_start3A_14 : memref<2500xi32, #tpu.memory_space<vmem>>) semaphore(%arg9 : memref<!tpu.dma_semaphore, #tpu.memory_space<semaphore_mem>>) {add = true}
    %dma_start3A_18 = arith.constant 2 : i32
    %dma_start3A_19 = arith.constant 0 : i32
    %dma_start3A_20 = tpu.memref_slice %arg6[%dma_start3A_18, %dma_start3A_19] : memref<4x2500xi32, #tpu.memory_space<vmem>> -> memref<1x2500xi32, #tpu.memory_space<vmem>>
    %dma_start3A_21 = tpu.memref_squeeze %dma_start3A_20 : memref<1x2500xi32, #tpu.memory_space<vmem>> -> memref<2500xi32, #tpu.memory_space<vmem>>
    %dma_start3A_22 = arith.constant 0 : i32
    %dma_start3A_23 = arith.constant 0 : i32
    %dma_start3A_24 = tpu.memref_slice %arg8[%dma_start3A_22, %dma_start3A_23] : memref<10240x16xf32, #tpu.memory_space<vmem_shared>> -> memref<10240x16xf32, #tpu.memory_space<vmem_shared>>
    tpu.enqueue_indirect_dma source(%arg7 : memref<2500x16xf32, #tpu.memory_space<vmem>>) target(%dma_start3A_24 : memref<10240x16xf32, #tpu.memory_space<vmem_shared>>) offsets(%dma_start3A_21 : memref<2500xi32, #tpu.memory_space<vmem>>) semaphore(%arg9 : memref<!tpu.dma_semaphore, #tpu.memory_space<semaphore_mem>>) {add = true}
    %dma_start3A_25 = arith.constant 3 : i32
    %dma_start3A_26 = arith.constant 0 : i32
    %dma_start3A_27 = tpu.memref_slice %arg6[%dma_start3A_25, %dma_start3A_26] : memref<4x2500xi32, #tpu.memory_space<vmem>> -> memref<1x2500xi32, #tpu.memory_space<vmem>>
    %dma_start3A_28 = tpu.memref_squeeze %dma_start3A_27 : memref<1x2500xi32, #tpu.memory_space<vmem>> -> memref<2500xi32, #tpu.memory_space<vmem>>
    %dma_start3A_29 = arith.constant 0 : i32
    %dma_start3A_30 = arith.constant 0 : i32
    %dma_start3A_31 = tpu.memref_slice %arg8[%dma_start3A_29, %dma_start3A_30] : memref<10240x16xf32, #tpu.memory_space<vmem_shared>> -> memref<10240x16xf32, #tpu.memory_space<vmem_shared>>
    tpu.enqueue_indirect_dma source(%arg7 : memref<2500x16xf32, #tpu.memory_space<vmem>>) target(%dma_start3A_31 : memref<10240x16xf32, #tpu.memory_space<vmem_shared>>) offsets(%dma_start3A_28 : memref<2500xi32, #tpu.memory_space<vmem>>) semaphore(%arg9 : memref<!tpu.dma_semaphore, #tpu.memory_space<semaphore_mem>>) {add = true}
    %dma_wait3A = arith.constant 0 : i32
    %dma_wait3A_32 = arith.constant 0 : i32
    %dma_wait3A_33 = tpu.memref_slice %arg6[%dma_wait3A, %dma_wait3A_32] : memref<4x2500xi32, #tpu.memory_space<vmem>> -> memref<1x2500xi32, #tpu.memory_space<vmem>>
    %dma_wait3A_34 = tpu.memref_squeeze %dma_wait3A_33 : memref<1x2500xi32, #tpu.memory_space<vmem>> -> memref<2500xi32, #tpu.memory_space<vmem>>
    %dma_wait3A_35 = arith.constant 0 : i32
    %dma_wait3A_36 = arith.constant 0 : i32
    %dma_wait3A_37 = tpu.memref_slice %arg8[%dma_wait3A_35, %dma_wait3A_36] : memref<10240x16xf32, #tpu.memory_space<vmem_shared>> -> memref<10240x16xf32, #tpu.memory_space<vmem_shared>>
    tpu.wait_indirect_dma semaphore(%arg9 : memref<!tpu.dma_semaphore, #tpu.memory_space<semaphore_mem>>) src(%arg7 : memref<2500x16xf32, #tpu.memory_space<vmem>>) dst(%dma_wait3A_37 : memref<10240x16xf32, #tpu.memory_space<vmem_shared>>)
    %dma_wait3A_38 = arith.constant 1 : i32
    %dma_wait3A_39 = arith.constant 0 : i32
    %dma_wait3A_40 = tpu.memref_slice %arg6[%dma_wait3A_38, %dma_wait3A_39] : memref<4x2500xi32, #tpu.memory_space<vmem>> -> memref<1x2500xi32, #tpu.memory_space<vmem>>
    %dma_wait3A_41 = tpu.memref_squeeze %dma_wait3A_40 : memref<1x2500xi32, #tpu.memory_space<vmem>> -> memref<2500xi32, #tpu.memory_space<vmem>>
    %dma_wait3A_42 = arith.constant 0 : i32
    %dma_wait3A_43 = arith.constant 0 : i32
    %dma_wait3A_44 = tpu.memref_slice %arg8[%dma_wait3A_42, %dma_wait3A_43] : memref<10240x16xf32, #tpu.memory_space<vmem_shared>> -> memref<10240x16xf32, #tpu.memory_space<vmem_shared>>
    tpu.wait_indirect_dma semaphore(%arg9 : memref<!tpu.dma_semaphore, #tpu.memory_space<semaphore_mem>>) src(%arg7 : memref<2500x16xf32, #tpu.memory_space<vmem>>) dst(%dma_wait3A_44 : memref<10240x16xf32, #tpu.memory_space<vmem_shared>>)
    %dma_wait3A_45 = arith.constant 2 : i32
    %dma_wait3A_46 = arith.constant 0 : i32
    %dma_wait3A_47 = tpu.memref_slice %arg6[%dma_wait3A_45, %dma_wait3A_46] : memref<4x2500xi32, #tpu.memory_space<vmem>> -> memref<1x2500xi32, #tpu.memory_space<vmem>>
    %dma_wait3A_48 = tpu.memref_squeeze %dma_wait3A_47 : memref<1x2500xi32, #tpu.memory_space<vmem>> -> memref<2500xi32, #tpu.memory_space<vmem>>
    %dma_wait3A_49 = arith.constant 0 : i32
    %dma_wait3A_50 = arith.constant 0 : i32
    %dma_wait3A_51 = tpu.memref_slice %arg8[%dma_wait3A_49, %dma_wait3A_50] : memref<10240x16xf32, #tpu.memory_space<vmem_shared>> -> memref<10240x16xf32, #tpu.memory_space<vmem_shared>>
    tpu.wait_indirect_dma semaphore(%arg9 : memref<!tpu.dma_semaphore, #tpu.memory_space<semaphore_mem>>) src(%arg7 : memref<2500x16xf32, #tpu.memory_space<vmem>>) dst(%dma_wait3A_51 : memref<10240x16xf32, #tpu.memory_space<vmem_shared>>)
    %dma_wait3A_52 = arith.constant 3 : i32
    %dma_wait3A_53 = arith.constant 0 : i32
    %dma_wait3A_54 = tpu.memref_slice %arg6[%dma_wait3A_52, %dma_wait3A_53] : memref<4x2500xi32, #tpu.memory_space<vmem>> -> memref<1x2500xi32, #tpu.memory_space<vmem>>
    %dma_wait3A_55 = tpu.memref_squeeze %dma_wait3A_54 : memref<1x2500xi32, #tpu.memory_space<vmem>> -> memref<2500xi32, #tpu.memory_space<vmem>>
    %dma_wait3A_56 = arith.constant 0 : i32
    %dma_wait3A_57 = arith.constant 0 : i32
    %dma_wait3A_58 = tpu.memref_slice %arg8[%dma_wait3A_56, %dma_wait3A_57] : memref<10240x16xf32, #tpu.memory_space<vmem_shared>> -> memref<10240x16xf32, #tpu.memory_space<vmem_shared>>
    tpu.wait_indirect_dma semaphore(%arg9 : memref<!tpu.dma_semaphore, #tpu.memory_space<semaphore_mem>>) src(%arg7 : memref<2500x16xf32, #tpu.memory_space<vmem>>) dst(%dma_wait3A_58 : memref<10240x16xf32, #tpu.memory_space<vmem_shared>>)
    %barrier3A_59 = arith.constant 0 : index
    tpu.barrier barrier_id(%barrier3A_59)
    %mul3A_60 = arith.constant 640 : i32
    %mul3A_61 = arith.muli %arg1, %mul3A_60 : i32
    %mul3A_62 = arith.constant 640 : i32
    %mul3A_63 = arith.muli %arg1, %mul3A_62 : i32
    "tpu.region"() ({
      %run_scoped3A_64 = tpu.sem_alloc : memref<!tpu.dma_semaphore, #tpu.memory_space<semaphore_mem>>
      %dma_start3A_65 = arith.constant 0 : i32
      %dma_start3A_66 = tpu.memref_slice %arg5[%arg0, %mul3A_63, %dma_start3A_65] : memref<2x10240x16xf32, #tpu.memory_space<hbm>> -> memref<1x640x16xf32, #tpu.memory_space<hbm>>
      %dma_start3A_67 = tpu.memref_squeeze %dma_start3A_66 : memref<1x640x16xf32, #tpu.memory_space<hbm>> -> memref<640x16xf32, #tpu.memory_space<hbm>>
      %dma_start3A_68 = arith.constant 0 : i32
      %dma_start3A_69 = tpu.memref_slice %arg8[%mul3A_61, %dma_start3A_68] : memref<10240x16xf32, #tpu.memory_space<vmem_shared>> -> memref<640x16xf32, #tpu.memory_space<vmem_shared>>
      tpu.enqueue_dma source(%dma_start3A_69 : memref<640x16xf32, #tpu.memory_space<vmem_shared>>) target(%dma_start3A_67 : memref<640x16xf32, #tpu.memory_space<hbm>>) target_semaphore(%run_scoped3A_64 : memref<!tpu.dma_semaphore, #tpu.memory_space<semaphore_mem>>)
      %dma_wait3A_70 = arith.constant 0 : i32
      %dma_wait3A_71 = tpu.memref_slice %arg5[%arg0, %mul3A_63, %dma_wait3A_70] : memref<2x10240x16xf32, #tpu.memory_space<hbm>> -> memref<1x640x16xf32, #tpu.memory_space<hbm>>
      %dma_wait3A_72 = tpu.memref_squeeze %dma_wait3A_71 : memref<1x640x16xf32, #tpu.memory_space<hbm>> -> memref<640x16xf32, #tpu.memory_space<hbm>>
      %dma_wait3A_73 = arith.constant 0 : i32
      %dma_wait3A_74 = tpu.memref_slice %arg8[%mul3A_61, %dma_wait3A_73] : memref<10240x16xf32, #tpu.memory_space<vmem_shared>> -> memref<640x16xf32, #tpu.memory_space<vmem_shared>>
      tpu.wait_dma2 semaphore(%run_scoped3A_64 : memref<!tpu.dma_semaphore, #tpu.memory_space<semaphore_mem>>) src(%dma_wait3A_74 : memref<640x16xf32, #tpu.memory_space<vmem_shared>>) dst(%dma_wait3A_72 : memref<640x16xf32, #tpu.memory_space<hbm>>)
      tpu.yield
    }) : () -> ()
    return
  }
}

#map = affine_map<(d0, d1) -> (0, 0, 0, 0)>
#map1 = affine_map<(d0, d1) -> (0, 0)>
#map2 = affine_map<(d0, d1) -> (0, 0, 0)>
module attributes {stable_mosaic.version = 14 : i64} {
  func.func @_sc_aggregate(%arg0: i32, %arg1: i32, %arg2: memref<2x32x4x2500xi32, #tpu.memory_space<hbm>>, %arg3: memref<10240x16xf32, #tpu.memory_space<hbm>>, %arg4: memref<10240x16xf32, #tpu.memory_space<hbm>>, %arg5: memref<2x10240x16xf32, #tpu.memory_space<hbm>>, %arg6: memref<4x2500xi32, #tpu.memory_space<vmem>>, %arg7: memref<4x2500xi32, #tpu.memory_space<vmem>>, %arg8: memref<2x2500x16xf32, #tpu.memory_space<vmem>>, %arg9: memref<10240x16xf32, #tpu.memory_space<vmem_shared>>, %arg10: memref<10240x16xf32, #tpu.memory_space<vmem_shared>>, %arg11: memref<!tpu.dma_semaphore, #tpu.memory_space<semaphore_mem>>, %arg12: memref<!tpu.dma_semaphore, #tpu.memory_space<semaphore_mem>>, %arg13: memref<!tpu.dma_semaphore, #tpu.memory_space<semaphore_mem>>, %arg14: memref<!tpu.dma_semaphore, #tpu.memory_space<semaphore_mem>>) attributes {dimension_semantics = [#tpu.dimension_semantics<core_parallel>, #tpu.dimension_semantics<subcore_parallel>], iteration_bounds = array<i64: 2, 16>, scalar_prefetch = 0 : i64, scratch_operands = 9 : i64, tpu.core_type = #tpu.core_type<sc_vector_subcore>, window_params = [{transform_indices = #map}, {transform_indices = #map1}, {transform_indices = #map1}, {transform_indices = #map2}]} {
    %mul3A = arith.constant 16 : i32
    %mul3A_0 = arith.muli %arg0, %mul3A : i32
    %add3A = arith.addi %mul3A_0, %arg1 : i32
    %run_scoped3A = arith.constant 0 : i32
    "tpu.region"() ({
      %run_scoped3A_205 = tpu.sem_alloc : memref<!tpu.dma_semaphore, #tpu.memory_space<semaphore_mem>>
      %dma_start3A_206 = arith.constant 0 : i32
      %dma_start3A_207 = arith.constant 0 : i32
      %dma_start3A_208 = tpu.memref_slice %arg2[%run_scoped3A, %add3A, %dma_start3A_206, %dma_start3A_207] : memref<2x32x4x2500xi32, #tpu.memory_space<hbm>> -> memref<1x1x4x2500xi32, #tpu.memory_space<hbm>>
      %dma_start3A_209 = tpu.memref_squeeze %dma_start3A_208 : memref<1x1x4x2500xi32, #tpu.memory_space<hbm>> -> memref<4x2500xi32, #tpu.memory_space<hbm>>
      %dma_start3A_210 = arith.constant 0 : i32
      %dma_start3A_211 = arith.constant 0 : i32
      %dma_start3A_212 = tpu.memref_slice %arg2[%run_scoped3A, %add3A, %dma_start3A_210, %dma_start3A_211] : memref<2x32x4x2500xi32, #tpu.memory_space<hbm>> -> memref<1x1x4x2500xi32, #tpu.memory_space<hbm>>
      %dma_start3A_213 = tpu.memref_squeeze %dma_start3A_212 : memref<1x1x4x2500xi32, #tpu.memory_space<hbm>> -> memref<4x2500xi32, #tpu.memory_space<hbm>>
      tpu.enqueue_dma source(%dma_start3A_213 : memref<4x2500xi32, #tpu.memory_space<hbm>>) target(%arg6 : memref<4x2500xi32, #tpu.memory_space<vmem>>) target_semaphore(%run_scoped3A_205 : memref<!tpu.dma_semaphore, #tpu.memory_space<semaphore_mem>>)
      %dma_wait3A_214 = arith.constant 0 : i32
      %dma_wait3A_215 = arith.constant 0 : i32
      %dma_wait3A_216 = tpu.memref_slice %arg2[%run_scoped3A, %add3A, %dma_wait3A_214, %dma_wait3A_215] : memref<2x32x4x2500xi32, #tpu.memory_space<hbm>> -> memref<1x1x4x2500xi32, #tpu.memory_space<hbm>>
      %dma_wait3A_217 = tpu.memref_squeeze %dma_wait3A_216 : memref<1x1x4x2500xi32, #tpu.memory_space<hbm>> -> memref<4x2500xi32, #tpu.memory_space<hbm>>
      %dma_wait3A_218 = arith.constant 0 : i32
      %dma_wait3A_219 = arith.constant 0 : i32
      %dma_wait3A_220 = tpu.memref_slice %arg2[%run_scoped3A, %add3A, %dma_wait3A_218, %dma_wait3A_219] : memref<2x32x4x2500xi32, #tpu.memory_space<hbm>> -> memref<1x1x4x2500xi32, #tpu.memory_space<hbm>>
      %dma_wait3A_221 = tpu.memref_squeeze %dma_wait3A_220 : memref<1x1x4x2500xi32, #tpu.memory_space<hbm>> -> memref<4x2500xi32, #tpu.memory_space<hbm>>
      tpu.wait_dma2 semaphore(%run_scoped3A_205 : memref<!tpu.dma_semaphore, #tpu.memory_space<semaphore_mem>>) src(%dma_wait3A_221 : memref<4x2500xi32, #tpu.memory_space<hbm>>) dst(%arg6 : memref<4x2500xi32, #tpu.memory_space<vmem>>)
      tpu.yield
    }) : () -> ()
    %run_scoped3A_1 = arith.constant 1 : i32
    "tpu.region"() ({
      %run_scoped3A_205 = tpu.sem_alloc : memref<!tpu.dma_semaphore, #tpu.memory_space<semaphore_mem>>
      %dma_start3A_206 = arith.constant 0 : i32
      %dma_start3A_207 = arith.constant 0 : i32
      %dma_start3A_208 = tpu.memref_slice %arg2[%run_scoped3A_1, %add3A, %dma_start3A_206, %dma_start3A_207] : memref<2x32x4x2500xi32, #tpu.memory_space<hbm>> -> memref<1x1x4x2500xi32, #tpu.memory_space<hbm>>
      %dma_start3A_209 = tpu.memref_squeeze %dma_start3A_208 : memref<1x1x4x2500xi32, #tpu.memory_space<hbm>> -> memref<4x2500xi32, #tpu.memory_space<hbm>>
      %dma_start3A_210 = arith.constant 0 : i32
      %dma_start3A_211 = arith.constant 0 : i32
      %dma_start3A_212 = tpu.memref_slice %arg2[%run_scoped3A_1, %add3A, %dma_start3A_210, %dma_start3A_211] : memref<2x32x4x2500xi32, #tpu.memory_space<hbm>> -> memref<1x1x4x2500xi32, #tpu.memory_space<hbm>>
      %dma_start3A_213 = tpu.memref_squeeze %dma_start3A_212 : memref<1x1x4x2500xi32, #tpu.memory_space<hbm>> -> memref<4x2500xi32, #tpu.memory_space<hbm>>
      tpu.enqueue_dma source(%dma_start3A_213 : memref<4x2500xi32, #tpu.memory_space<hbm>>) target(%arg7 : memref<4x2500xi32, #tpu.memory_space<vmem>>) target_semaphore(%run_scoped3A_205 : memref<!tpu.dma_semaphore, #tpu.memory_space<semaphore_mem>>)
      %dma_wait3A_214 = arith.constant 0 : i32
      %dma_wait3A_215 = arith.constant 0 : i32
      %dma_wait3A_216 = tpu.memref_slice %arg2[%run_scoped3A_1, %add3A, %dma_wait3A_214, %dma_wait3A_215] : memref<2x32x4x2500xi32, #tpu.memory_space<hbm>> -> memref<1x1x4x2500xi32, #tpu.memory_space<hbm>>
      %dma_wait3A_217 = tpu.memref_squeeze %dma_wait3A_216 : memref<1x1x4x2500xi32, #tpu.memory_space<hbm>> -> memref<4x2500xi32, #tpu.memory_space<hbm>>
      %dma_wait3A_218 = arith.constant 0 : i32
      %dma_wait3A_219 = arith.constant 0 : i32
      %dma_wait3A_220 = tpu.memref_slice %arg2[%run_scoped3A_1, %add3A, %dma_wait3A_218, %dma_wait3A_219] : memref<2x32x4x2500xi32, #tpu.memory_space<hbm>> -> memref<1x1x4x2500xi32, #tpu.memory_space<hbm>>
      %dma_wait3A_221 = tpu.memref_squeeze %dma_wait3A_220 : memref<1x1x4x2500xi32, #tpu.memory_space<hbm>> -> memref<4x2500xi32, #tpu.memory_space<hbm>>
      tpu.wait_dma2 semaphore(%run_scoped3A_205 : memref<!tpu.dma_semaphore, #tpu.memory_space<semaphore_mem>>) src(%dma_wait3A_221 : memref<4x2500xi32, #tpu.memory_space<hbm>>) dst(%arg7 : memref<4x2500xi32, #tpu.memory_space<vmem>>)
      tpu.yield
    }) : () -> ()
    %mul3A_2 = arith.constant 640 : i32
    %mul3A_3 = arith.muli %arg1, %mul3A_2 : i32
    %mul3A_4 = arith.constant 640 : i32
    %mul3A_5 = arith.muli %arg1, %mul3A_4 : i32
    "tpu.region"() ({
      %run_scoped3A_205 = tpu.sem_alloc : memref<!tpu.dma_semaphore, #tpu.memory_space<semaphore_mem>>
      %dma_start3A_206 = arith.constant 0 : i32
      %dma_start3A_207 = tpu.memref_slice %arg9[%mul3A_5, %dma_start3A_206] : memref<10240x16xf32, #tpu.memory_space<vmem_shared>> -> memref<640x16xf32, #tpu.memory_space<vmem_shared>>
      %dma_start3A_208 = arith.constant 0 : i32
      %dma_start3A_209 = tpu.memref_slice %arg3[%mul3A_3, %dma_start3A_208] : memref<10240x16xf32, #tpu.memory_space<hbm>> -> memref<640x16xf32, #tpu.memory_space<hbm>>
      tpu.enqueue_dma source(%dma_start3A_209 : memref<640x16xf32, #tpu.memory_space<hbm>>) target(%dma_start3A_207 : memref<640x16xf32, #tpu.memory_space<vmem_shared>>) target_semaphore(%run_scoped3A_205 : memref<!tpu.dma_semaphore, #tpu.memory_space<semaphore_mem>>)
      %dma_wait3A_210 = arith.constant 0 : i32
      %dma_wait3A_211 = tpu.memref_slice %arg9[%mul3A_5, %dma_wait3A_210] : memref<10240x16xf32, #tpu.memory_space<vmem_shared>> -> memref<640x16xf32, #tpu.memory_space<vmem_shared>>
      %dma_wait3A_212 = arith.constant 0 : i32
      %dma_wait3A_213 = tpu.memref_slice %arg3[%mul3A_3, %dma_wait3A_212] : memref<10240x16xf32, #tpu.memory_space<hbm>> -> memref<640x16xf32, #tpu.memory_space<hbm>>
      tpu.wait_dma2 semaphore(%run_scoped3A_205 : memref<!tpu.dma_semaphore, #tpu.memory_space<semaphore_mem>>) src(%dma_wait3A_213 : memref<640x16xf32, #tpu.memory_space<hbm>>) dst(%dma_wait3A_211 : memref<640x16xf32, #tpu.memory_space<vmem_shared>>)
      tpu.yield
    }) : () -> ()
    %mul3A_6 = arith.constant 640 : i32
    %mul3A_7 = arith.muli %arg1, %mul3A_6 : i32
    %mul3A_8 = arith.constant 640 : i32
    %mul3A_9 = arith.muli %arg1, %mul3A_8 : i32
    "tpu.region"() ({
      %run_scoped3A_205 = tpu.sem_alloc : memref<!tpu.dma_semaphore, #tpu.memory_space<semaphore_mem>>
      %dma_start3A_206 = arith.constant 0 : i32
      %dma_start3A_207 = tpu.memref_slice %arg10[%mul3A_9, %dma_start3A_206] : memref<10240x16xf32, #tpu.memory_space<vmem_shared>> -> memref<640x16xf32, #tpu.memory_space<vmem_shared>>
      %dma_start3A_208 = arith.constant 0 : i32
      %dma_start3A_209 = tpu.memref_slice %arg4[%mul3A_7, %dma_start3A_208] : memref<10240x16xf32, #tpu.memory_space<hbm>> -> memref<640x16xf32, #tpu.memory_space<hbm>>
      tpu.enqueue_dma source(%dma_start3A_209 : memref<640x16xf32, #tpu.memory_space<hbm>>) target(%dma_start3A_207 : memref<640x16xf32, #tpu.memory_space<vmem_shared>>) target_semaphore(%run_scoped3A_205 : memref<!tpu.dma_semaphore, #tpu.memory_space<semaphore_mem>>)
      %dma_wait3A_210 = arith.constant 0 : i32
      %dma_wait3A_211 = tpu.memref_slice %arg10[%mul3A_9, %dma_wait3A_210] : memref<10240x16xf32, #tpu.memory_space<vmem_shared>> -> memref<640x16xf32, #tpu.memory_space<vmem_shared>>
      %dma_wait3A_212 = arith.constant 0 : i32
      %dma_wait3A_213 = tpu.memref_slice %arg4[%mul3A_7, %dma_wait3A_212] : memref<10240x16xf32, #tpu.memory_space<hbm>> -> memref<640x16xf32, #tpu.memory_space<hbm>>
      tpu.wait_dma2 semaphore(%run_scoped3A_205 : memref<!tpu.dma_semaphore, #tpu.memory_space<semaphore_mem>>) src(%dma_wait3A_213 : memref<640x16xf32, #tpu.memory_space<hbm>>) dst(%dma_wait3A_211 : memref<640x16xf32, #tpu.memory_space<vmem_shared>>)
      tpu.yield
    }) : () -> ()
    %barrier3A = arith.constant 0 : index
    tpu.barrier barrier_id(%barrier3A)
    %dma_start3A = arith.constant 0 : i32
    %dma_start3A_10 = arith.constant 0 : i32
    %dma_start3A_11 = arith.constant 0 : i32
    %dma_start3A_12 = arith.constant 0 : i32
    %dma_start3A_13 = tpu.memref_slice %arg8[%dma_start3A_10, %dma_start3A_11, %dma_start3A_12] : memref<2x2500x16xf32, #tpu.memory_space<vmem>> -> memref<1x2500x16xf32, #tpu.memory_space<vmem>>
    %dma_start3A_14 = tpu.memref_squeeze %dma_start3A_13 : memref<1x2500x16xf32, #tpu.memory_space<vmem>> -> memref<2500x16xf32, #tpu.memory_space<vmem>>
    %dma_start3A_15 = arith.constant 0 : i32
    %dma_start3A_16 = tpu.memref_slice %arg6[%dma_start3A, %dma_start3A_15] : memref<4x2500xi32, #tpu.memory_space<vmem>> -> memref<1x2500xi32, #tpu.memory_space<vmem>>
    %dma_start3A_17 = tpu.memref_squeeze %dma_start3A_16 : memref<1x2500xi32, #tpu.memory_space<vmem>> -> memref<2500xi32, #tpu.memory_space<vmem>>
    %dma_start3A_18 = arith.constant 0 : i32
    %dma_start3A_19 = arith.constant 0 : i32
    %dma_start3A_20 = tpu.memref_slice %arg9[%dma_start3A_18, %dma_start3A_19] : memref<10240x16xf32, #tpu.memory_space<vmem_shared>> -> memref<10240x16xf32, #tpu.memory_space<vmem_shared>>
    tpu.enqueue_indirect_dma source(%dma_start3A_20 : memref<10240x16xf32, #tpu.memory_space<vmem_shared>>) target(%dma_start3A_14 : memref<2500x16xf32, #tpu.memory_space<vmem>>) offsets(%dma_start3A_17 : memref<2500xi32, #tpu.memory_space<vmem>>) semaphore(%arg11 : memref<!tpu.dma_semaphore, #tpu.memory_space<semaphore_mem>>)
    %dma_wait3A = arith.constant 0 : i32
    %dma_wait3A_21 = arith.constant 0 : i32
    %dma_wait3A_22 = arith.constant 0 : i32
    %dma_wait3A_23 = arith.constant 0 : i32
    %dma_wait3A_24 = tpu.memref_slice %arg8[%dma_wait3A_21, %dma_wait3A_22, %dma_wait3A_23] : memref<2x2500x16xf32, #tpu.memory_space<vmem>> -> memref<1x2500x16xf32, #tpu.memory_space<vmem>>
    %dma_wait3A_25 = tpu.memref_squeeze %dma_wait3A_24 : memref<1x2500x16xf32, #tpu.memory_space<vmem>> -> memref<2500x16xf32, #tpu.memory_space<vmem>>
    %dma_wait3A_26 = arith.constant 0 : i32
    %dma_wait3A_27 = tpu.memref_slice %arg6[%dma_wait3A, %dma_wait3A_26] : memref<4x2500xi32, #tpu.memory_space<vmem>> -> memref<1x2500xi32, #tpu.memory_space<vmem>>
    %dma_wait3A_28 = tpu.memref_squeeze %dma_wait3A_27 : memref<1x2500xi32, #tpu.memory_space<vmem>> -> memref<2500xi32, #tpu.memory_space<vmem>>
    %dma_wait3A_29 = arith.constant 0 : i32
    %dma_wait3A_30 = arith.constant 0 : i32
    %dma_wait3A_31 = tpu.memref_slice %arg9[%dma_wait3A_29, %dma_wait3A_30] : memref<10240x16xf32, #tpu.memory_space<vmem_shared>> -> memref<10240x16xf32, #tpu.memory_space<vmem_shared>>
    tpu.wait_indirect_dma semaphore(%arg11 : memref<!tpu.dma_semaphore, #tpu.memory_space<semaphore_mem>>) src(%dma_wait3A_31 : memref<10240x16xf32, #tpu.memory_space<vmem_shared>>) dst(%dma_wait3A_25 : memref<2500x16xf32, #tpu.memory_space<vmem>>)
    %dma_start3A_32 = arith.constant 0 : i32
    %dma_start3A_33 = arith.constant 0 : i32
    %dma_start3A_34 = arith.constant 0 : i32
    %dma_start3A_35 = arith.constant 0 : i32
    %dma_start3A_36 = tpu.memref_slice %arg8[%dma_start3A_32, %dma_start3A_34, %dma_start3A_35] : memref<2x2500x16xf32, #tpu.memory_space<vmem>> -> memref<1x2500x16xf32, #tpu.memory_space<vmem>>
    %dma_start3A_37 = tpu.memref_squeeze %dma_start3A_36 : memref<1x2500x16xf32, #tpu.memory_space<vmem>> -> memref<2500x16xf32, #tpu.memory_space<vmem>>
    %dma_start3A_38 = arith.constant 0 : i32
    %dma_start3A_39 = tpu.memref_slice %arg7[%dma_start3A_33, %dma_start3A_38] : memref<4x2500xi32, #tpu.memory_space<vmem>> -> memref<1x2500xi32, #tpu.memory_space<vmem>>
    %dma_start3A_40 = tpu.memref_squeeze %dma_start3A_39 : memref<1x2500xi32, #tpu.memory_space<vmem>> -> memref<2500xi32, #tpu.memory_space<vmem>>
    %dma_start3A_41 = arith.constant 0 : i32
    %dma_start3A_42 = arith.constant 0 : i32
    %dma_start3A_43 = tpu.memref_slice %arg10[%dma_start3A_41, %dma_start3A_42] : memref<10240x16xf32, #tpu.memory_space<vmem_shared>> -> memref<10240x16xf32, #tpu.memory_space<vmem_shared>>
    tpu.enqueue_indirect_dma source(%dma_start3A_37 : memref<2500x16xf32, #tpu.memory_space<vmem>>) target(%dma_start3A_43 : memref<10240x16xf32, #tpu.memory_space<vmem_shared>>) offsets(%dma_start3A_40 : memref<2500xi32, #tpu.memory_space<vmem>>) semaphore(%arg13 : memref<!tpu.dma_semaphore, #tpu.memory_space<semaphore_mem>>) {add = true}
    %dma_start3A_44 = arith.constant 1 : i32
    %dma_start3A_45 = arith.constant 1 : i32
    %dma_start3A_46 = arith.constant 0 : i32
    %dma_start3A_47 = arith.constant 0 : i32
    %dma_start3A_48 = tpu.memref_slice %arg8[%dma_start3A_45, %dma_start3A_46, %dma_start3A_47] : memref<2x2500x16xf32, #tpu.memory_space<vmem>> -> memref<1x2500x16xf32, #tpu.memory_space<vmem>>
    %dma_start3A_49 = tpu.memref_squeeze %dma_start3A_48 : memref<1x2500x16xf32, #tpu.memory_space<vmem>> -> memref<2500x16xf32, #tpu.memory_space<vmem>>
    %dma_start3A_50 = arith.constant 0 : i32
    %dma_start3A_51 = tpu.memref_slice %arg6[%dma_start3A_44, %dma_start3A_50] : memref<4x2500xi32, #tpu.memory_space<vmem>> -> memref<1x2500xi32, #tpu.memory_space<vmem>>
    %dma_start3A_52 = tpu.memref_squeeze %dma_start3A_51 : memref<1x2500xi32, #tpu.memory_space<vmem>> -> memref<2500xi32, #tpu.memory_space<vmem>>
    %dma_start3A_53 = arith.constant 0 : i32
    %dma_start3A_54 = arith.constant 0 : i32
    %dma_start3A_55 = tpu.memref_slice %arg9[%dma_start3A_53, %dma_start3A_54] : memref<10240x16xf32, #tpu.memory_space<vmem_shared>> -> memref<10240x16xf32, #tpu.memory_space<vmem_shared>>
    tpu.enqueue_indirect_dma source(%dma_start3A_55 : memref<10240x16xf32, #tpu.memory_space<vmem_shared>>) target(%dma_start3A_49 : memref<2500x16xf32, #tpu.memory_space<vmem>>) offsets(%dma_start3A_52 : memref<2500xi32, #tpu.memory_space<vmem>>) semaphore(%arg12 : memref<!tpu.dma_semaphore, #tpu.memory_space<semaphore_mem>>)
    %dma_wait3A_56 = arith.constant 1 : i32
    %dma_wait3A_57 = arith.constant 1 : i32
    %dma_wait3A_58 = arith.constant 0 : i32
    %dma_wait3A_59 = arith.constant 0 : i32
    %dma_wait3A_60 = tpu.memref_slice %arg8[%dma_wait3A_57, %dma_wait3A_58, %dma_wait3A_59] : memref<2x2500x16xf32, #tpu.memory_space<vmem>> -> memref<1x2500x16xf32, #tpu.memory_space<vmem>>
    %dma_wait3A_61 = tpu.memref_squeeze %dma_wait3A_60 : memref<1x2500x16xf32, #tpu.memory_space<vmem>> -> memref<2500x16xf32, #tpu.memory_space<vmem>>
    %dma_wait3A_62 = arith.constant 0 : i32
    %dma_wait3A_63 = tpu.memref_slice %arg6[%dma_wait3A_56, %dma_wait3A_62] : memref<4x2500xi32, #tpu.memory_space<vmem>> -> memref<1x2500xi32, #tpu.memory_space<vmem>>
    %dma_wait3A_64 = tpu.memref_squeeze %dma_wait3A_63 : memref<1x2500xi32, #tpu.memory_space<vmem>> -> memref<2500xi32, #tpu.memory_space<vmem>>
    %dma_wait3A_65 = arith.constant 0 : i32
    %dma_wait3A_66 = arith.constant 0 : i32
    %dma_wait3A_67 = tpu.memref_slice %arg9[%dma_wait3A_65, %dma_wait3A_66] : memref<10240x16xf32, #tpu.memory_space<vmem_shared>> -> memref<10240x16xf32, #tpu.memory_space<vmem_shared>>
    tpu.wait_indirect_dma semaphore(%arg12 : memref<!tpu.dma_semaphore, #tpu.memory_space<semaphore_mem>>) src(%dma_wait3A_67 : memref<10240x16xf32, #tpu.memory_space<vmem_shared>>) dst(%dma_wait3A_61 : memref<2500x16xf32, #tpu.memory_space<vmem>>)
    %dma_start3A_68 = arith.constant 1 : i32
    %dma_start3A_69 = arith.constant 1 : i32
    %dma_start3A_70 = arith.constant 0 : i32
    %dma_start3A_71 = arith.constant 0 : i32
    %dma_start3A_72 = tpu.memref_slice %arg8[%dma_start3A_68, %dma_start3A_70, %dma_start3A_71] : memref<2x2500x16xf32, #tpu.memory_space<vmem>> -> memref<1x2500x16xf32, #tpu.memory_space<vmem>>
    %dma_start3A_73 = tpu.memref_squeeze %dma_start3A_72 : memref<1x2500x16xf32, #tpu.memory_space<vmem>> -> memref<2500x16xf32, #tpu.memory_space<vmem>>
    %dma_start3A_74 = arith.constant 0 : i32
    %dma_start3A_75 = tpu.memref_slice %arg7[%dma_start3A_69, %dma_start3A_74] : memref<4x2500xi32, #tpu.memory_space<vmem>> -> memref<1x2500xi32, #tpu.memory_space<vmem>>
    %dma_start3A_76 = tpu.memref_squeeze %dma_start3A_75 : memref<1x2500xi32, #tpu.memory_space<vmem>> -> memref<2500xi32, #tpu.memory_space<vmem>>
    %dma_start3A_77 = arith.constant 0 : i32
    %dma_start3A_78 = arith.constant 0 : i32
    %dma_start3A_79 = tpu.memref_slice %arg10[%dma_start3A_77, %dma_start3A_78] : memref<10240x16xf32, #tpu.memory_space<vmem_shared>> -> memref<10240x16xf32, #tpu.memory_space<vmem_shared>>
    tpu.enqueue_indirect_dma source(%dma_start3A_73 : memref<2500x16xf32, #tpu.memory_space<vmem>>) target(%dma_start3A_79 : memref<10240x16xf32, #tpu.memory_space<vmem_shared>>) offsets(%dma_start3A_76 : memref<2500xi32, #tpu.memory_space<vmem>>) semaphore(%arg14 : memref<!tpu.dma_semaphore, #tpu.memory_space<semaphore_mem>>) {add = true}
    %dma_wait3A_80 = arith.constant 0 : i32
    %dma_wait3A_81 = arith.constant 0 : i32
    %dma_wait3A_82 = arith.constant 0 : i32
    %dma_wait3A_83 = arith.constant 0 : i32
    %dma_wait3A_84 = tpu.memref_slice %arg8[%dma_wait3A_80, %dma_wait3A_82, %dma_wait3A_83] : memref<2x2500x16xf32, #tpu.memory_space<vmem>> -> memref<1x2500x16xf32, #tpu.memory_space<vmem>>
    %dma_wait3A_85 = tpu.memref_squeeze %dma_wait3A_84 : memref<1x2500x16xf32, #tpu.memory_space<vmem>> -> memref<2500x16xf32, #tpu.memory_space<vmem>>
    %dma_wait3A_86 = arith.constant 0 : i32
    %dma_wait3A_87 = tpu.memref_slice %arg7[%dma_wait3A_81, %dma_wait3A_86] : memref<4x2500xi32, #tpu.memory_space<vmem>> -> memref<1x2500xi32, #tpu.memory_space<vmem>>
    %dma_wait3A_88 = tpu.memref_squeeze %dma_wait3A_87 : memref<1x2500xi32, #tpu.memory_space<vmem>> -> memref<2500xi32, #tpu.memory_space<vmem>>
    %dma_wait3A_89 = arith.constant 0 : i32
    %dma_wait3A_90 = arith.constant 0 : i32
    %dma_wait3A_91 = tpu.memref_slice %arg10[%dma_wait3A_89, %dma_wait3A_90] : memref<10240x16xf32, #tpu.memory_space<vmem_shared>> -> memref<10240x16xf32, #tpu.memory_space<vmem_shared>>
    tpu.wait_indirect_dma semaphore(%arg13 : memref<!tpu.dma_semaphore, #tpu.memory_space<semaphore_mem>>) src(%dma_wait3A_85 : memref<2500x16xf32, #tpu.memory_space<vmem>>) dst(%dma_wait3A_91 : memref<10240x16xf32, #tpu.memory_space<vmem_shared>>)
    %dma_start3A_92 = arith.constant 2 : i32
    %dma_start3A_93 = arith.constant 0 : i32
    %dma_start3A_94 = arith.constant 0 : i32
    %dma_start3A_95 = arith.constant 0 : i32
    %dma_start3A_96 = tpu.memref_slice %arg8[%dma_start3A_93, %dma_start3A_94, %dma_start3A_95] : memref<2x2500x16xf32, #tpu.memory_space<vmem>> -> memref<1x2500x16xf32, #tpu.memory_space<vmem>>
    %dma_start3A_97 = tpu.memref_squeeze %dma_start3A_96 : memref<1x2500x16xf32, #tpu.memory_space<vmem>> -> memref<2500x16xf32, #tpu.memory_space<vmem>>
    %dma_start3A_98 = arith.constant 0 : i32
    %dma_start3A_99 = tpu.memref_slice %arg6[%dma_start3A_92, %dma_start3A_98] : memref<4x2500xi32, #tpu.memory_space<vmem>> -> memref<1x2500xi32, #tpu.memory_space<vmem>>
    %dma_start3A_100 = tpu.memref_squeeze %dma_start3A_99 : memref<1x2500xi32, #tpu.memory_space<vmem>> -> memref<2500xi32, #tpu.memory_space<vmem>>
    %dma_start3A_101 = arith.constant 0 : i32
    %dma_start3A_102 = arith.constant 0 : i32
    %dma_start3A_103 = tpu.memref_slice %arg9[%dma_start3A_101, %dma_start3A_102] : memref<10240x16xf32, #tpu.memory_space<vmem_shared>> -> memref<10240x16xf32, #tpu.memory_space<vmem_shared>>
    tpu.enqueue_indirect_dma source(%dma_start3A_103 : memref<10240x16xf32, #tpu.memory_space<vmem_shared>>) target(%dma_start3A_97 : memref<2500x16xf32, #tpu.memory_space<vmem>>) offsets(%dma_start3A_100 : memref<2500xi32, #tpu.memory_space<vmem>>) semaphore(%arg11 : memref<!tpu.dma_semaphore, #tpu.memory_space<semaphore_mem>>)
    %dma_wait3A_104 = arith.constant 2 : i32
    %dma_wait3A_105 = arith.constant 0 : i32
    %dma_wait3A_106 = arith.constant 0 : i32
    %dma_wait3A_107 = arith.constant 0 : i32
    %dma_wait3A_108 = tpu.memref_slice %arg8[%dma_wait3A_105, %dma_wait3A_106, %dma_wait3A_107] : memref<2x2500x16xf32, #tpu.memory_space<vmem>> -> memref<1x2500x16xf32, #tpu.memory_space<vmem>>
    %dma_wait3A_109 = tpu.memref_squeeze %dma_wait3A_108 : memref<1x2500x16xf32, #tpu.memory_space<vmem>> -> memref<2500x16xf32, #tpu.memory_space<vmem>>
    %dma_wait3A_110 = arith.constant 0 : i32
    %dma_wait3A_111 = tpu.memref_slice %arg6[%dma_wait3A_104, %dma_wait3A_110] : memref<4x2500xi32, #tpu.memory_space<vmem>> -> memref<1x2500xi32, #tpu.memory_space<vmem>>
    %dma_wait3A_112 = tpu.memref_squeeze %dma_wait3A_111 : memref<1x2500xi32, #tpu.memory_space<vmem>> -> memref<2500xi32, #tpu.memory_space<vmem>>
    %dma_wait3A_113 = arith.constant 0 : i32
    %dma_wait3A_114 = arith.constant 0 : i32
    %dma_wait3A_115 = tpu.memref_slice %arg9[%dma_wait3A_113, %dma_wait3A_114] : memref<10240x16xf32, #tpu.memory_space<vmem_shared>> -> memref<10240x16xf32, #tpu.memory_space<vmem_shared>>
    tpu.wait_indirect_dma semaphore(%arg11 : memref<!tpu.dma_semaphore, #tpu.memory_space<semaphore_mem>>) src(%dma_wait3A_115 : memref<10240x16xf32, #tpu.memory_space<vmem_shared>>) dst(%dma_wait3A_109 : memref<2500x16xf32, #tpu.memory_space<vmem>>)
    %dma_start3A_116 = arith.constant 0 : i32
    %dma_start3A_117 = arith.constant 2 : i32
    %dma_start3A_118 = arith.constant 0 : i32
    %dma_start3A_119 = arith.constant 0 : i32
    %dma_start3A_120 = tpu.memref_slice %arg8[%dma_start3A_116, %dma_start3A_118, %dma_start3A_119] : memref<2x2500x16xf32, #tpu.memory_space<vmem>> -> memref<1x2500x16xf32, #tpu.memory_space<vmem>>
    %dma_start3A_121 = tpu.memref_squeeze %dma_start3A_120 : memref<1x2500x16xf32, #tpu.memory_space<vmem>> -> memref<2500x16xf32, #tpu.memory_space<vmem>>
    %dma_start3A_122 = arith.constant 0 : i32
    %dma_start3A_123 = tpu.memref_slice %arg7[%dma_start3A_117, %dma_start3A_122] : memref<4x2500xi32, #tpu.memory_space<vmem>> -> memref<1x2500xi32, #tpu.memory_space<vmem>>
    %dma_start3A_124 = tpu.memref_squeeze %dma_start3A_123 : memref<1x2500xi32, #tpu.memory_space<vmem>> -> memref<2500xi32, #tpu.memory_space<vmem>>
    %dma_start3A_125 = arith.constant 0 : i32
    %dma_start3A_126 = arith.constant 0 : i32
    %dma_start3A_127 = tpu.memref_slice %arg10[%dma_start3A_125, %dma_start3A_126] : memref<10240x16xf32, #tpu.memory_space<vmem_shared>> -> memref<10240x16xf32, #tpu.memory_space<vmem_shared>>
    tpu.enqueue_indirect_dma source(%dma_start3A_121 : memref<2500x16xf32, #tpu.memory_space<vmem>>) target(%dma_start3A_127 : memref<10240x16xf32, #tpu.memory_space<vmem_shared>>) offsets(%dma_start3A_124 : memref<2500xi32, #tpu.memory_space<vmem>>) semaphore(%arg13 : memref<!tpu.dma_semaphore, #tpu.memory_space<semaphore_mem>>) {add = true}
    %dma_wait3A_128 = arith.constant 1 : i32
    %dma_wait3A_129 = arith.constant 1 : i32
    %dma_wait3A_130 = arith.constant 0 : i32
    %dma_wait3A_131 = arith.constant 0 : i32
    %dma_wait3A_132 = tpu.memref_slice %arg8[%dma_wait3A_128, %dma_wait3A_130, %dma_wait3A_131] : memref<2x2500x16xf32, #tpu.memory_space<vmem>> -> memref<1x2500x16xf32, #tpu.memory_space<vmem>>
    %dma_wait3A_133 = tpu.memref_squeeze %dma_wait3A_132 : memref<1x2500x16xf32, #tpu.memory_space<vmem>> -> memref<2500x16xf32, #tpu.memory_space<vmem>>
    %dma_wait3A_134 = arith.constant 0 : i32
    %dma_wait3A_135 = tpu.memref_slice %arg7[%dma_wait3A_129, %dma_wait3A_134] : memref<4x2500xi32, #tpu.memory_space<vmem>> -> memref<1x2500xi32, #tpu.memory_space<vmem>>
    %dma_wait3A_136 = tpu.memref_squeeze %dma_wait3A_135 : memref<1x2500xi32, #tpu.memory_space<vmem>> -> memref<2500xi32, #tpu.memory_space<vmem>>
    %dma_wait3A_137 = arith.constant 0 : i32
    %dma_wait3A_138 = arith.constant 0 : i32
    %dma_wait3A_139 = tpu.memref_slice %arg10[%dma_wait3A_137, %dma_wait3A_138] : memref<10240x16xf32, #tpu.memory_space<vmem_shared>> -> memref<10240x16xf32, #tpu.memory_space<vmem_shared>>
    tpu.wait_indirect_dma semaphore(%arg14 : memref<!tpu.dma_semaphore, #tpu.memory_space<semaphore_mem>>) src(%dma_wait3A_133 : memref<2500x16xf32, #tpu.memory_space<vmem>>) dst(%dma_wait3A_139 : memref<10240x16xf32, #tpu.memory_space<vmem_shared>>)
    %dma_start3A_140 = arith.constant 3 : i32
    %dma_start3A_141 = arith.constant 1 : i32
    %dma_start3A_142 = arith.constant 0 : i32
    %dma_start3A_143 = arith.constant 0 : i32
    %dma_start3A_144 = tpu.memref_slice %arg8[%dma_start3A_141, %dma_start3A_142, %dma_start3A_143] : memref<2x2500x16xf32, #tpu.memory_space<vmem>> -> memref<1x2500x16xf32, #tpu.memory_space<vmem>>
    %dma_start3A_145 = tpu.memref_squeeze %dma_start3A_144 : memref<1x2500x16xf32, #tpu.memory_space<vmem>> -> memref<2500x16xf32, #tpu.memory_space<vmem>>
    %dma_start3A_146 = arith.constant 0 : i32
    %dma_start3A_147 = tpu.memref_slice %arg6[%dma_start3A_140, %dma_start3A_146] : memref<4x2500xi32, #tpu.memory_space<vmem>> -> memref<1x2500xi32, #tpu.memory_space<vmem>>
    %dma_start3A_148 = tpu.memref_squeeze %dma_start3A_147 : memref<1x2500xi32, #tpu.memory_space<vmem>> -> memref<2500xi32, #tpu.memory_space<vmem>>
    %dma_start3A_149 = arith.constant 0 : i32
    %dma_start3A_150 = arith.constant 0 : i32
    %dma_start3A_151 = tpu.memref_slice %arg9[%dma_start3A_149, %dma_start3A_150] : memref<10240x16xf32, #tpu.memory_space<vmem_shared>> -> memref<10240x16xf32, #tpu.memory_space<vmem_shared>>
    tpu.enqueue_indirect_dma source(%dma_start3A_151 : memref<10240x16xf32, #tpu.memory_space<vmem_shared>>) target(%dma_start3A_145 : memref<2500x16xf32, #tpu.memory_space<vmem>>) offsets(%dma_start3A_148 : memref<2500xi32, #tpu.memory_space<vmem>>) semaphore(%arg12 : memref<!tpu.dma_semaphore, #tpu.memory_space<semaphore_mem>>)
    %dma_wait3A_152 = arith.constant 3 : i32
    %dma_wait3A_153 = arith.constant 1 : i32
    %dma_wait3A_154 = arith.constant 0 : i32
    %dma_wait3A_155 = arith.constant 0 : i32
    %dma_wait3A_156 = tpu.memref_slice %arg8[%dma_wait3A_153, %dma_wait3A_154, %dma_wait3A_155] : memref<2x2500x16xf32, #tpu.memory_space<vmem>> -> memref<1x2500x16xf32, #tpu.memory_space<vmem>>
    %dma_wait3A_157 = tpu.memref_squeeze %dma_wait3A_156 : memref<1x2500x16xf32, #tpu.memory_space<vmem>> -> memref<2500x16xf32, #tpu.memory_space<vmem>>
    %dma_wait3A_158 = arith.constant 0 : i32
    %dma_wait3A_159 = tpu.memref_slice %arg6[%dma_wait3A_152, %dma_wait3A_158] : memref<4x2500xi32, #tpu.memory_space<vmem>> -> memref<1x2500xi32, #tpu.memory_space<vmem>>
    %dma_wait3A_160 = tpu.memref_squeeze %dma_wait3A_159 : memref<1x2500xi32, #tpu.memory_space<vmem>> -> memref<2500xi32, #tpu.memory_space<vmem>>
    %dma_wait3A_161 = arith.constant 0 : i32
    %dma_wait3A_162 = arith.constant 0 : i32
    %dma_wait3A_163 = tpu.memref_slice %arg9[%dma_wait3A_161, %dma_wait3A_162] : memref<10240x16xf32, #tpu.memory_space<vmem_shared>> -> memref<10240x16xf32, #tpu.memory_space<vmem_shared>>
    tpu.wait_indirect_dma semaphore(%arg12 : memref<!tpu.dma_semaphore, #tpu.memory_space<semaphore_mem>>) src(%dma_wait3A_163 : memref<10240x16xf32, #tpu.memory_space<vmem_shared>>) dst(%dma_wait3A_157 : memref<2500x16xf32, #tpu.memory_space<vmem>>)
    %dma_start3A_164 = arith.constant 1 : i32
    %dma_start3A_165 = arith.constant 3 : i32
    %dma_start3A_166 = arith.constant 0 : i32
    %dma_start3A_167 = arith.constant 0 : i32
    %dma_start3A_168 = tpu.memref_slice %arg8[%dma_start3A_164, %dma_start3A_166, %dma_start3A_167] : memref<2x2500x16xf32, #tpu.memory_space<vmem>> -> memref<1x2500x16xf32, #tpu.memory_space<vmem>>
    %dma_start3A_169 = tpu.memref_squeeze %dma_start3A_168 : memref<1x2500x16xf32, #tpu.memory_space<vmem>> -> memref<2500x16xf32, #tpu.memory_space<vmem>>
    %dma_start3A_170 = arith.constant 0 : i32
    %dma_start3A_171 = tpu.memref_slice %arg7[%dma_start3A_165, %dma_start3A_170] : memref<4x2500xi32, #tpu.memory_space<vmem>> -> memref<1x2500xi32, #tpu.memory_space<vmem>>
    %dma_start3A_172 = tpu.memref_squeeze %dma_start3A_171 : memref<1x2500xi32, #tpu.memory_space<vmem>> -> memref<2500xi32, #tpu.memory_space<vmem>>
    %dma_start3A_173 = arith.constant 0 : i32
    %dma_start3A_174 = arith.constant 0 : i32
    %dma_start3A_175 = tpu.memref_slice %arg10[%dma_start3A_173, %dma_start3A_174] : memref<10240x16xf32, #tpu.memory_space<vmem_shared>> -> memref<10240x16xf32, #tpu.memory_space<vmem_shared>>
    tpu.enqueue_indirect_dma source(%dma_start3A_169 : memref<2500x16xf32, #tpu.memory_space<vmem>>) target(%dma_start3A_175 : memref<10240x16xf32, #tpu.memory_space<vmem_shared>>) offsets(%dma_start3A_172 : memref<2500xi32, #tpu.memory_space<vmem>>) semaphore(%arg14 : memref<!tpu.dma_semaphore, #tpu.memory_space<semaphore_mem>>) {add = true}
    %dma_wait3A_176 = arith.constant 0 : i32
    %dma_wait3A_177 = arith.constant 2 : i32
    %dma_wait3A_178 = arith.constant 0 : i32
    %dma_wait3A_179 = arith.constant 0 : i32
    %dma_wait3A_180 = tpu.memref_slice %arg8[%dma_wait3A_176, %dma_wait3A_178, %dma_wait3A_179] : memref<2x2500x16xf32, #tpu.memory_space<vmem>> -> memref<1x2500x16xf32, #tpu.memory_space<vmem>>
    %dma_wait3A_181 = tpu.memref_squeeze %dma_wait3A_180 : memref<1x2500x16xf32, #tpu.memory_space<vmem>> -> memref<2500x16xf32, #tpu.memory_space<vmem>>
    %dma_wait3A_182 = arith.constant 0 : i32
    %dma_wait3A_183 = tpu.memref_slice %arg7[%dma_wait3A_177, %dma_wait3A_182] : memref<4x2500xi32, #tpu.memory_space<vmem>> -> memref<1x2500xi32, #tpu.memory_space<vmem>>
    %dma_wait3A_184 = tpu.memref_squeeze %dma_wait3A_183 : memref<1x2500xi32, #tpu.memory_space<vmem>> -> memref<2500xi32, #tpu.memory_space<vmem>>
    %dma_wait3A_185 = arith.constant 0 : i32
    %dma_wait3A_186 = arith.constant 0 : i32
    %dma_wait3A_187 = tpu.memref_slice %arg10[%dma_wait3A_185, %dma_wait3A_186] : memref<10240x16xf32, #tpu.memory_space<vmem_shared>> -> memref<10240x16xf32, #tpu.memory_space<vmem_shared>>
    tpu.wait_indirect_dma semaphore(%arg13 : memref<!tpu.dma_semaphore, #tpu.memory_space<semaphore_mem>>) src(%dma_wait3A_181 : memref<2500x16xf32, #tpu.memory_space<vmem>>) dst(%dma_wait3A_187 : memref<10240x16xf32, #tpu.memory_space<vmem_shared>>)
    %dma_wait3A_188 = arith.constant 1 : i32
    %dma_wait3A_189 = arith.constant 3 : i32
    %dma_wait3A_190 = arith.constant 0 : i32
    %dma_wait3A_191 = arith.constant 0 : i32
    %dma_wait3A_192 = tpu.memref_slice %arg8[%dma_wait3A_188, %dma_wait3A_190, %dma_wait3A_191] : memref<2x2500x16xf32, #tpu.memory_space<vmem>> -> memref<1x2500x16xf32, #tpu.memory_space<vmem>>
    %dma_wait3A_193 = tpu.memref_squeeze %dma_wait3A_192 : memref<1x2500x16xf32, #tpu.memory_space<vmem>> -> memref<2500x16xf32, #tpu.memory_space<vmem>>
    %dma_wait3A_194 = arith.constant 0 : i32
    %dma_wait3A_195 = tpu.memref_slice %arg7[%dma_wait3A_189, %dma_wait3A_194] : memref<4x2500xi32, #tpu.memory_space<vmem>> -> memref<1x2500xi32, #tpu.memory_space<vmem>>
    %dma_wait3A_196 = tpu.memref_squeeze %dma_wait3A_195 : memref<1x2500xi32, #tpu.memory_space<vmem>> -> memref<2500xi32, #tpu.memory_space<vmem>>
    %dma_wait3A_197 = arith.constant 0 : i32
    %dma_wait3A_198 = arith.constant 0 : i32
    %dma_wait3A_199 = tpu.memref_slice %arg10[%dma_wait3A_197, %dma_wait3A_198] : memref<10240x16xf32, #tpu.memory_space<vmem_shared>> -> memref<10240x16xf32, #tpu.memory_space<vmem_shared>>
    tpu.wait_indirect_dma semaphore(%arg14 : memref<!tpu.dma_semaphore, #tpu.memory_space<semaphore_mem>>) src(%dma_wait3A_193 : memref<2500x16xf32, #tpu.memory_space<vmem>>) dst(%dma_wait3A_199 : memref<10240x16xf32, #tpu.memory_space<vmem_shared>>)
    %barrier3A_200 = arith.constant 0 : index
    tpu.barrier barrier_id(%barrier3A_200)
    %mul3A_201 = arith.constant 640 : i32
    %mul3A_202 = arith.muli %arg1, %mul3A_201 : i32
    %mul3A_203 = arith.constant 640 : i32
    %mul3A_204 = arith.muli %arg1, %mul3A_203 : i32
    "tpu.region"() ({
      %run_scoped3A_205 = tpu.sem_alloc : memref<!tpu.dma_semaphore, #tpu.memory_space<semaphore_mem>>
      %dma_start3A_206 = arith.constant 0 : i32
      %dma_start3A_207 = tpu.memref_slice %arg5[%arg0, %mul3A_204, %dma_start3A_206] : memref<2x10240x16xf32, #tpu.memory_space<hbm>> -> memref<1x640x16xf32, #tpu.memory_space<hbm>>
      %dma_start3A_208 = tpu.memref_squeeze %dma_start3A_207 : memref<1x640x16xf32, #tpu.memory_space<hbm>> -> memref<640x16xf32, #tpu.memory_space<hbm>>
      %dma_start3A_209 = arith.constant 0 : i32
      %dma_start3A_210 = tpu.memref_slice %arg10[%mul3A_202, %dma_start3A_209] : memref<10240x16xf32, #tpu.memory_space<vmem_shared>> -> memref<640x16xf32, #tpu.memory_space<vmem_shared>>
      tpu.enqueue_dma source(%dma_start3A_210 : memref<640x16xf32, #tpu.memory_space<vmem_shared>>) target(%dma_start3A_208 : memref<640x16xf32, #tpu.memory_space<hbm>>) target_semaphore(%run_scoped3A_205 : memref<!tpu.dma_semaphore, #tpu.memory_space<semaphore_mem>>)
      %dma_wait3A_211 = arith.constant 0 : i32
      %dma_wait3A_212 = tpu.memref_slice %arg5[%arg0, %mul3A_204, %dma_wait3A_211] : memref<2x10240x16xf32, #tpu.memory_space<hbm>> -> memref<1x640x16xf32, #tpu.memory_space<hbm>>
      %dma_wait3A_213 = tpu.memref_squeeze %dma_wait3A_212 : memref<1x640x16xf32, #tpu.memory_space<hbm>> -> memref<640x16xf32, #tpu.memory_space<hbm>>
      %dma_wait3A_214 = arith.constant 0 : i32
      %dma_wait3A_215 = tpu.memref_slice %arg10[%mul3A_202, %dma_wait3A_214] : memref<10240x16xf32, #tpu.memory_space<vmem_shared>> -> memref<640x16xf32, #tpu.memory_space<vmem_shared>>
      tpu.wait_dma2 semaphore(%run_scoped3A_205 : memref<!tpu.dma_semaphore, #tpu.memory_space<semaphore_mem>>) src(%dma_wait3A_215 : memref<640x16xf32, #tpu.memory_space<vmem_shared>>) dst(%dma_wait3A_213 : memref<640x16xf32, #tpu.memory_space<hbm>>)
      tpu.yield
    }) : () -> ()
    return
  }
}

module attributes {stable_mosaic.version = 14 : i64} {
  func.func @_tc0_body(%arg0: i32, %arg1: memref<256x1024xf32, #tpu.memory_space<vmem>>, %arg2: memref<1024x128xf32, #tpu.memory_space<vmem>>, %arg3: memref<256x128xf32, #tpu.memory_space<vmem>>) attributes {dimension_semantics = [#tpu.dimension_semantics<arbitrary>], iteration_bounds = array<i64: 5>, scalar_prefetch = 0 : i64, scratch_operands = 0 : i64, tpu.core_type = #tpu.core_type<tc>, window_params = [{transform_indices = @transform_0, window_bounds = array<i64: 256, 1024>}, {pipeline_mode = #tpu.pipeline_mode<synchronous>, transform_indices = @transform_1, window_bounds = array<i64: 1024, 128>}, {transform_indices = @transform_2, window_bounds = array<i64: 256, 128>}]} {
    %get3A = arith.constant 0 : index
    %get3A_0 = arith.constant 0 : index
    %get3A_1 = vector.load %arg1[%get3A, %get3A_0] : memref<256x1024xf32, #tpu.memory_space<vmem>>, vector<256x1024xf32>
    %get3A_2 = arith.constant 0 : index
    %get3A_3 = arith.constant 0 : index
    %get3A_4 = vector.load %arg2[%get3A_2, %get3A_3] : memref<1024x128xf32, #tpu.memory_space<vmem>>, vector<1024x128xf32>
    %dot_general3A = arith.constant dense<0.000000e+00> : vector<256x128xf32>
    %dot_general3A_5 = tpu.matmul %get3A_1, %get3A_4, %dot_general3A {dimension_numbers = #tpu.dot_dimension_numbers<[1], [0], [0], [1], [0, 0, 1, 1], [], []>, transpose_lhs_hint = false} : vector<256x1024xf32>, vector<1024x128xf32>, vector<256x128xf32> -> vector<256x128xf32>
    %swap3A = arith.constant 0 : index
    %swap3A_6 = arith.constant 0 : index
    %swap3A_7 = vector.load %arg3[%swap3A, %swap3A_6] : memref<256x128xf32, #tpu.memory_space<vmem>>, vector<256x128xf32>
    tpu.vector_store %arg3[%swap3A, %swap3A_6], %dot_general3A_5 {strides = array<i32>} : memref<256x128xf32, #tpu.memory_space<vmem>>, vector<256x128xf32>,
    return
  }
  func.func @transform_0(%arg0: i32) -> (i32, i32) {
    %c0_i32 = arith.constant 0 : i32
    %c0_i32_0 = arith.constant 0 : i32
    return %arg0, %c0_i32 : i32, i32
  }
  func.func @transform_1(%arg0: i32) -> (i32, i32) {
    %c0_i32 = arith.constant 0 : i32
    %c0_i32_0 = arith.constant 0 : i32
    %c0_i32_1 = arith.constant 0 : i32
    return %c0_i32, %c0_i32_0 : i32, i32
  }
  func.func @transform_2(%arg0: i32) -> (i32, i32) {
    %c0_i32 = arith.constant 0 : i32
    %c0_i32_0 = arith.constant 0 : i32
    return %arg0, %c0_i32 : i32, i32
  }
}

module attributes {stable_mosaic.version = 14 : i64} {
  func.func @_tc1_body(%arg0: i32, %arg1: memref<256x128xf32, #tpu.memory_space<vmem>>, %arg2: memref<2x256x128xf32, #tpu.memory_space<vmem>>, %arg3: memref<256x128xf32, #tpu.memory_space<vmem>>, %arg4: memref<256x128xf32, #tpu.memory_space<vmem>>) attributes {dimension_semantics = [#tpu.dimension_semantics<arbitrary>], iteration_bounds = array<i64: 5>, scalar_prefetch = 0 : i64, scratch_operands = 0 : i64, tpu.core_type = #tpu.core_type<tc>, window_params = [{transform_indices = @transform_0, window_bounds = array<i64: 256, 128>}, {transform_indices = @transform_1, window_bounds = array<i64: 2, 256, 128>}, {transform_indices = @transform_2, window_bounds = array<i64: 256, 128>}, {transform_indices = @transform_3, window_bounds = array<i64: 256, 128>}]} {
    %get3A = arith.constant 0 : index
    %get3A_0 = arith.constant 0 : index
    %get3A_1 = arith.constant 0 : index
    %get3A_2 = vector.load %arg2[%get3A, %get3A_0, %get3A_1] : memref<2x256x128xf32, #tpu.memory_space<vmem>>, vector<2x256x128xf32>
    %slice3A = vector.extract_strided_slice %get3A_2 {offsets = [0, 0, 0], sizes = [1, 256, 128], strides = [1, 1, 1]} : vector<2x256x128xf32> to vector<1x256x128xf32>
    %squeeze3A = vector.shape_cast %slice3A : vector<1x256x128xf32> to vector<256x128xf32>
    %slice3A_3 = vector.extract_strided_slice %get3A_2 {offsets = [1, 0, 0], sizes = [1, 256, 128], strides = [1, 1, 1]} : vector<2x256x128xf32> to vector<1x256x128xf32>
    %squeeze3A_4 = vector.shape_cast %slice3A_3 : vector<1x256x128xf32> to vector<256x128xf32>
    %add3A = arith.addf %squeeze3A, %squeeze3A_4 : vector<256x128xf32>
    %add3A_5 = arith.constant 1.000000e+00 : f32
    %add3A_6 = vector.broadcast %add3A_5 : f32 to vector<256x128xf32>
    %add3A_7 = arith.addf %add3A, %add3A_6 : vector<256x128xf32>
    %rsqrt3A = math.rsqrt %add3A_7 : vector<256x128xf32>
    %get3A_8 = arith.constant 0 : index
    %get3A_9 = arith.constant 0 : index
    %get3A_10 = vector.load %arg1[%get3A_8, %get3A_9] : memref<256x128xf32, #tpu.memory_space<vmem>>, vector<256x128xf32>
    %mul3A = arith.mulf %rsqrt3A, %get3A_10 : vector<256x128xf32>
    %swap3A = arith.constant 0 : index
    %swap3A_11 = arith.constant 0 : index
    %swap3A_12 = vector.load %arg3[%swap3A, %swap3A_11] : memref<256x128xf32, #tpu.memory_space<vmem>>, vector<256x128xf32>
    tpu.vector_store %arg3[%swap3A, %swap3A_11], %mul3A {strides = array<i32>} : memref<256x128xf32, #tpu.memory_space<vmem>>, vector<256x128xf32>,
    %swap3A_13 = arith.constant 0 : index
    %swap3A_14 = arith.constant 0 : index
    %swap3A_15 = vector.load %arg4[%swap3A_13, %swap3A_14] : memref<256x128xf32, #tpu.memory_space<vmem>>, vector<256x128xf32>
    tpu.vector_store %arg4[%swap3A_13, %swap3A_14], %rsqrt3A {strides = array<i32>} : memref<256x128xf32, #tpu.memory_space<vmem>>, vector<256x128xf32>,
    return
  }
  func.func @transform_0(%arg0: i32) -> (i32, i32) {
    %c0_i32 = arith.constant 0 : i32
    %c0_i32_0 = arith.constant 0 : i32
    return %arg0, %c0_i32 : i32, i32
  }
  func.func @transform_1(%arg0: i32) -> (i32, i32, i32) {
    %c0_i32 = arith.constant 0 : i32
    %c0_i32_0 = arith.constant 0 : i32
    %c0_i32_1 = arith.constant 0 : i32
    return %c0_i32, %arg0, %c0_i32_0 : i32, i32, i32
  }
  func.func @transform_2(%arg0: i32) -> (i32, i32) {
    %c0_i32 = arith.constant 0 : i32
    %c0_i32_0 = arith.constant 0 : i32
    return %arg0, %c0_i32 : i32, i32
  }
  func.func @transform_3(%arg0: i32) -> (i32, i32) {
    %c0_i32 = arith.constant 0 : i32
    %c0_i32_0 = arith.constant 0 : i32
    return %arg0, %c0_i32 : i32, i32
  }
}

module attributes {stable_mosaic.version = 14 : i64} {
  func.func @_tc2_body(%arg0: i32, %arg1: memref<2x256x128xf32, #tpu.memory_space<vmem>>, %arg2: memref<256x128xf32, #tpu.memory_space<vmem>>, %arg3: memref<256x128xf32, #tpu.memory_space<vmem>>, %arg4: memref<1x128xf32, #tpu.memory_space<vmem>>, %arg5: memref<128x128xf32, #tpu.memory_space<vmem>>, %arg6: memref<256x128xf32, #tpu.memory_space<vmem>>) attributes {dimension_semantics = [#tpu.dimension_semantics<arbitrary>], iteration_bounds = array<i64: 5>, scalar_prefetch = 0 : i64, scratch_operands = 0 : i64, tpu.core_type = #tpu.core_type<tc>, window_params = [{transform_indices = @transform_0, window_bounds = array<i64: 2, 256, 128>}, {transform_indices = @transform_1, window_bounds = array<i64: 256, 128>}, {transform_indices = @transform_2, window_bounds = array<i64: 256, 128>}, {pipeline_mode = #tpu.pipeline_mode<synchronous>, transform_indices = @transform_3, window_bounds = array<i64: 1, 128>}, {pipeline_mode = #tpu.pipeline_mode<synchronous>, transform_indices = @transform_4, window_bounds = array<i64: 128, 128>}, {transform_indices = @transform_5, window_bounds = array<i64: 256, 128>}]} {
    %get3A = arith.constant 0 : index
    %get3A_0 = arith.constant 0 : index
    %get3A_1 = arith.constant 0 : index
    %get3A_2 = vector.load %arg1[%get3A, %get3A_0, %get3A_1] : memref<2x256x128xf32, #tpu.memory_space<vmem>>, vector<2x256x128xf32>
    %get3A_3 = arith.constant 0 : index
    %get3A_4 = arith.constant 0 : index
    %get3A_5 = vector.load %arg3[%get3A_3, %get3A_4] : memref<256x128xf32, #tpu.memory_space<vmem>>, vector<256x128xf32>
    %slice3A = vector.extract_strided_slice %get3A_2 {offsets = [0, 0, 0], sizes = [1, 256, 128], strides = [1, 1, 1]} : vector<2x256x128xf32> to vector<1x256x128xf32>
    %squeeze3A = vector.shape_cast %slice3A : vector<1x256x128xf32> to vector<256x128xf32>
    %slice3A_6 = vector.extract_strided_slice %get3A_2 {offsets = [1, 0, 0], sizes = [1, 256, 128], strides = [1, 1, 1]} : vector<2x256x128xf32> to vector<1x256x128xf32>
    %squeeze3A_7 = vector.shape_cast %slice3A_6 : vector<1x256x128xf32> to vector<256x128xf32>
    %add3A = arith.addf %squeeze3A, %squeeze3A_7 : vector<256x128xf32>
    %get3A_8 = arith.constant 0 : index
    %get3A_9 = arith.constant 0 : index
    %get3A_10 = vector.load %arg2[%get3A_8, %get3A_9] : memref<256x128xf32, #tpu.memory_space<vmem>>, vector<256x128xf32>
    %add3A_11 = arith.addf %add3A, %get3A_10 : vector<256x128xf32>
    %mul3A = arith.mulf %get3A_5, %add3A_11 : vector<256x128xf32>
    %get3A_12 = arith.constant 0 : index
    %get3A_13 = arith.constant 0 : index
    %get3A_14 = vector.load %arg4[%get3A_12, %get3A_13] : memref<1x128xf32, #tpu.memory_space<vmem>>, vector<1x128xf32>
    %add3A_15 = vector.broadcast %get3A_14 : vector<1x128xf32> to vector<256x128xf32>
    %add3A_16 = arith.addf %mul3A, %add3A_15 : vector<256x128xf32>
    %max3A = arith.constant 0.000000e+00 : f32
    %max3A_17 = vector.broadcast %max3A : f32 to vector<256x128xf32>
    %max3A_18 = arith.maximumf %add3A_16, %max3A_17 : vector<256x128xf32>
    %get3A_19 = arith.constant 0 : index
    %get3A_20 = arith.constant 0 : index
    %get3A_21 = vector.load %arg5[%get3A_19, %get3A_20] : memref<128x128xf32, #tpu.memory_space<vmem>>, vector<128x128xf32>
    %dot_general3A = arith.constant dense<0.000000e+00> : vector<256x128xf32>
    %dot_general3A_22 = tpu.matmul %max3A_18, %get3A_21, %dot_general3A {dimension_numbers = #tpu.dot_dimension_numbers<[1], [0], [0], [1], [0, 0, 1, 1], [], []>, transpose_lhs_hint = false} : vector<256x128xf32>, vector<128x128xf32>, vector<256x128xf32> -> vector<256x128xf32>
    %mul3A_23 = arith.mulf %get3A_5, %dot_general3A_22 : vector<256x128xf32>
    %swap3A = arith.constant 0 : index
    %swap3A_24 = arith.constant 0 : index
    %swap3A_25 = vector.load %arg6[%swap3A, %swap3A_24] : memref<256x128xf32, #tpu.memory_space<vmem>>, vector<256x128xf32>
    tpu.vector_store %arg6[%swap3A, %swap3A_24], %mul3A_23 {strides = array<i32>} : memref<256x128xf32, #tpu.memory_space<vmem>>, vector<256x128xf32>,
    return
  }
  func.func @transform_0(%arg0: i32) -> (i32, i32, i32) {
    %c0_i32 = arith.constant 0 : i32
    %c0_i32_0 = arith.constant 0 : i32
    %c0_i32_1 = arith.constant 0 : i32
    return %c0_i32, %arg0, %c0_i32_0 : i32, i32, i32
  }
  func.func @transform_1(%arg0: i32) -> (i32, i32) {
    %c0_i32 = arith.constant 0 : i32
    %c0_i32_0 = arith.constant 0 : i32
    return %arg0, %c0_i32 : i32, i32
  }
  func.func @transform_2(%arg0: i32) -> (i32, i32) {
    %c0_i32 = arith.constant 0 : i32
    %c0_i32_0 = arith.constant 0 : i32
    return %arg0, %c0_i32 : i32, i32
  }
  func.func @transform_3(%arg0: i32) -> (i32, i32) {
    %c0_i32 = arith.constant 0 : i32
    %c0_i32_0 = arith.constant 0 : i32
    %c0_i32_1 = arith.constant 0 : i32
    return %c0_i32, %c0_i32_0 : i32, i32
  }
  func.func @transform_4(%arg0: i32) -> (i32, i32) {
    %c0_i32 = arith.constant 0 : i32
    %c0_i32_0 = arith.constant 0 : i32
    %c0_i32_1 = arith.constant 0 : i32
    return %c0_i32, %c0_i32_0 : i32, i32
  }
  func.func @transform_5(%arg0: i32) -> (i32, i32) {
    %c0_i32 = arith.constant 0 : i32
    %c0_i32_0 = arith.constant 0 : i32
    return %arg0, %c0_i32 : i32, i32
  }
}

module attributes {stable_mosaic.version = 14 : i64} {
  func.func @_tc3_body(%arg0: i32, %arg1: memref<2x256x128xf32, #tpu.memory_space<vmem>>, %arg2: memref<256x128xf32, #tpu.memory_space<vmem>>, %arg3: memref<256x128xf32, #tpu.memory_space<vmem>>, %arg4: memref<1x16xf32, #tpu.memory_space<vmem>>, %arg5: memref<1x8x256xi32, #tpu.memory_space<vmem>>, %arg6: memref<64x10xf32, #tpu.memory_space<vmem>>, %arg7: memref<64x16xf32, #tpu.memory_space<vmem>>) attributes {dimension_semantics = [#tpu.dimension_semantics<arbitrary>], iteration_bounds = array<i64: 5>, scalar_prefetch = 0 : i64, scratch_operands = 1 : i64, tpu.core_type = #tpu.core_type<tc>, window_params = [{transform_indices = @transform_0, window_bounds = array<i64: 2, 256, 128>}, {transform_indices = @transform_1, window_bounds = array<i64: 256, 128>}, {transform_indices = @transform_2, window_bounds = array<i64: 256, 128>}, {pipeline_mode = #tpu.pipeline_mode<synchronous>, transform_indices = @transform_3, window_bounds = array<i64: 1, 16>}, {transform_indices = @transform_4, window_bounds = array<i64: 1, 8, 256>}, {pipeline_mode = #tpu.pipeline_mode<synchronous>, transform_indices = @transform_5, window_bounds = array<i64: 64, 10>}]} {
    %eq3A = arith.constant 0 : i32
    %eq3A_0 = arith.cmpi eq, %arg0, %eq3A : i32
    %convert_element_type3A = arith.extui %eq3A_0 : i1 to i32
    %cond3A = arith.constant 0 : i32
    %cond3A_1 = arith.cmpi ne, %convert_element_type3A, %cond3A : i32
    scf.if %cond3A_1 {
      %broadcast_in_dim3A_138 = arith.constant 0.000000e+00 : f32
      %broadcast_in_dim3A_139 = vector.broadcast %broadcast_in_dim3A_138 : f32 to vector<64x16xf32>
      %swap3A_140 = arith.constant 0 : index
      %swap3A_141 = arith.constant 0 : index
      %swap3A_142 = vector.load %arg7[%swap3A_140, %swap3A_141] : memref<64x16xf32, #tpu.memory_space<vmem>>, vector<64x16xf32>
      tpu.vector_store %arg7[%swap3A_140, %swap3A_141], %broadcast_in_dim3A_139 {strides = array<i32>} : memref<64x16xf32, #tpu.memory_space<vmem>>, vector<64x16xf32>,
    } else {
    }
    %get3A = arith.constant 0 : index
    %get3A_2 = arith.constant 0 : index
    %get3A_3 = arith.constant 0 : index
    %get3A_4 = vector.load %arg1[%get3A, %get3A_2, %get3A_3] : memref<2x256x128xf32, #tpu.memory_space<vmem>>, vector<2x256x128xf32>
    %get3A_5 = arith.constant 0 : index
    %get3A_6 = arith.constant 0 : index
    %get3A_7 = vector.load %arg3[%get3A_5, %get3A_6] : memref<256x128xf32, #tpu.memory_space<vmem>>, vector<256x128xf32>
    %slice3A = vector.extract_strided_slice %get3A_4 {offsets = [0, 0, 0], sizes = [1, 256, 128], strides = [1, 1, 1]} : vector<2x256x128xf32> to vector<1x256x128xf32>
    %squeeze3A = vector.shape_cast %slice3A : vector<1x256x128xf32> to vector<256x128xf32>
    %slice3A_8 = vector.extract_strided_slice %get3A_4 {offsets = [1, 0, 0], sizes = [1, 256, 128], strides = [1, 1, 1]} : vector<2x256x128xf32> to vector<1x256x128xf32>
    %squeeze3A_9 = vector.shape_cast %slice3A_8 : vector<1x256x128xf32> to vector<256x128xf32>
    %add3A = arith.addf %squeeze3A, %squeeze3A_9 : vector<256x128xf32>
    %get3A_10 = arith.constant 0 : index
    %get3A_11 = arith.constant 0 : index
    %get3A_12 = vector.load %arg2[%get3A_10, %get3A_11] : memref<256x128xf32, #tpu.memory_space<vmem>>, vector<256x128xf32>
    %add3A_13 = arith.addf %add3A, %get3A_12 : vector<256x128xf32>
    %mul3A = arith.mulf %get3A_7, %add3A_13 : vector<256x128xf32>
    %iota3A = tpu.iota {dimensions = array<i32: 1>} : vector<256x128xi32>
    %jit3A = arith.constant 16 : i32
    %eq3A_14 = arith.constant 0 : i32
    %eq3A_15 = arith.cmpi eq, %jit3A, %eq3A_14 : i32
    %jit3A_16 = arith.constant 1 : i32
    %select_n3A = arith.select %eq3A_15, %jit3A_16, %jit3A : i32
    %rem3A = vector.broadcast %select_n3A : i32 to vector<256x128xi32>
    %rem3A_17 = arith.remsi %iota3A, %rem3A : vector<256x128xi32>
    %ne3A = arith.constant 0 : i32
    %ne3A_18 = vector.broadcast %ne3A : i32 to vector<256x128xi32>
    %ne3A_19 = arith.cmpi ne, %rem3A_17, %ne3A_18 : vector<256x128xi32>
    %lt3A = arith.constant 0 : i32
    %lt3A_20 = vector.broadcast %lt3A : i32 to vector<256x128xi32>
    %lt3A_21 = arith.cmpi slt, %rem3A_17, %lt3A_20 : vector<256x128xi32>
    %lt3A_22 = arith.constant 0 : i32
    %lt3A_23 = arith.cmpi slt, %select_n3A, %lt3A_22 : i32
    %ne3A_24 = vector.broadcast %lt3A_23 : i1 to vector<256x128xi1>
    %ne3A_25 = vector.broadcast %ne3A_24 : vector<256x128xi1> to vector<256x128xi1>
    %ne3A_26 = arith.xori %lt3A_21, %ne3A_25 : vector<256x128xi1>
    %and3A = arith.andi %ne3A_26, %ne3A_19 : vector<256x128xi1>
    %add3A_27 = vector.broadcast %select_n3A : i32 to vector<256x128xi32>
    %add3A_28 = arith.addi %rem3A_17, %add3A_27 : vector<256x128xi32>
    %select_n3A_29 = arith.select %and3A, %add3A_28, %rem3A_17 : vector<256x128xi1>, vector<256x128xi32>
    %lt3A_30 = arith.constant 10 : i32
    %lt3A_31 = vector.broadcast %lt3A_30 : i32 to vector<256x128xi32>
    %lt3A_32 = arith.cmpi slt, %select_n3A_29, %lt3A_31 : vector<256x128xi32>
    %eq3A_33 = arith.constant 10 : i32
    %eq3A_34 = vector.broadcast %eq3A_33 : i32 to vector<256x128xi32>
    %eq3A_35 = arith.cmpi eq, %select_n3A_29, %eq3A_34 : vector<256x128xi32>
    %jit3A_36 = arith.constant 1.000000e+00 : f32
    %jit3A_37 = arith.constant 0.000000e+00 : f32
    %broadcast_in_dim3A = vector.broadcast %jit3A_36 : f32 to vector<256x128xf32>
    %broadcast_in_dim3A_38 = vector.broadcast %jit3A_37 : f32 to vector<256x128xf32>
    %select_n3A_39 = arith.select %eq3A_35, %broadcast_in_dim3A, %broadcast_in_dim3A_38 : vector<256x128xi1>, vector<256x128xf32>
    %select_n3A_40 = arith.select %lt3A_32, %mul3A, %select_n3A_39 : vector<256x128xi1>, vector<256x128xf32>
    %get3A_41 = arith.constant 0 : index
    %get3A_42 = arith.constant 0 : index
    %get3A_43 = arith.constant 0 : index
    %get3A_44 = vector.load %arg5[%get3A_41, %get3A_42, %get3A_43] : memref<1x8x256xi32, #tpu.memory_space<vmem>>, vector<1x8x256xi32>
    %reshape3A = vector.shape_cast %get3A_44 : vector<1x8x256xi32> to vector<8x256xi32>
    %iota3A_45 = tpu.iota {dimensions = array<i32: 0>} : vector<64x256xi32>
    %broadcast_in_dim3A_46 = arith.constant 0.000000e+00 : f32
    %broadcast_in_dim3A_47 = vector.broadcast %broadcast_in_dim3A_46 : f32 to vector<64x16xf32>
    %slice3A_48 = vector.extract_strided_slice %reshape3A {offsets = [0, 0], sizes = [1, 256], strides = [1, 1]} : vector<8x256xi32> to vector<1x256xi32>
    %broadcast_in_dim3A_49 = vector.shape_cast %slice3A_48 : vector<1x256xi32> to vector<1x256xi32>
    %broadcast_in_dim3A_50 = vector.broadcast %broadcast_in_dim3A_49 : vector<1x256xi32> to vector<64x256xi32>
    %eq3A_51 = arith.cmpi eq, %iota3A_45, %broadcast_in_dim3A_50 : vector<64x256xi32>
    %convert_element_type3A_52 = arith.extui %eq3A_51 : vector<64x256xi1> to vector<64x256xi32>
    %convert_element_type3A_53 = arith.sitofp %convert_element_type3A_52 : vector<64x256xi32> to vector<64x256xf32>
    %dot_general3A = arith.constant dense<0.000000e+00> : vector<64x128xf32>
    %dot_general3A_54 = tpu.matmul %convert_element_type3A_53, %select_n3A_40, %dot_general3A {dimension_numbers = #tpu.dot_dimension_numbers<[1], [0], [0], [1], [0, 0, 1, 1], [], []>, transpose_lhs_hint = false} : vector<64x256xf32>, vector<256x128xf32>, vector<64x128xf32> -> vector<64x128xf32>
    %slice3A_55 = vector.extract_strided_slice %dot_general3A_54 {offsets = [0, 0], sizes = [64, 16], strides = [1, 1]} : vector<64x128xf32> to vector<64x16xf32>
    %add3A_56 = arith.addf %broadcast_in_dim3A_47, %slice3A_55 : vector<64x16xf32>
    %slice3A_57 = vector.extract_strided_slice %reshape3A {offsets = [1, 0], sizes = [1, 256], strides = [1, 1]} : vector<8x256xi32> to vector<1x256xi32>
    %broadcast_in_dim3A_58 = vector.shape_cast %slice3A_57 : vector<1x256xi32> to vector<1x256xi32>
    %broadcast_in_dim3A_59 = vector.broadcast %broadcast_in_dim3A_58 : vector<1x256xi32> to vector<64x256xi32>
    %eq3A_60 = arith.cmpi eq, %iota3A_45, %broadcast_in_dim3A_59 : vector<64x256xi32>
    %convert_element_type3A_61 = arith.extui %eq3A_60 : vector<64x256xi1> to vector<64x256xi32>
    %convert_element_type3A_62 = arith.sitofp %convert_element_type3A_61 : vector<64x256xi32> to vector<64x256xf32>
    %dot_general3A_63 = arith.constant dense<0.000000e+00> : vector<64x128xf32>
    %dot_general3A_64 = tpu.matmul %convert_element_type3A_62, %select_n3A_40, %dot_general3A_63 {dimension_numbers = #tpu.dot_dimension_numbers<[1], [0], [0], [1], [0, 0, 1, 1], [], []>, transpose_lhs_hint = false} : vector<64x256xf32>, vector<256x128xf32>, vector<64x128xf32> -> vector<64x128xf32>
    %slice3A_65 = vector.extract_strided_slice %dot_general3A_64 {offsets = [0, 16], sizes = [64, 16], strides = [1, 1]} : vector<64x128xf32> to vector<64x16xf32>
    %add3A_66 = arith.addf %add3A_56, %slice3A_65 : vector<64x16xf32>
    %slice3A_67 = vector.extract_strided_slice %reshape3A {offsets = [2, 0], sizes = [1, 256], strides = [1, 1]} : vector<8x256xi32> to vector<1x256xi32>
    %broadcast_in_dim3A_68 = vector.shape_cast %slice3A_67 : vector<1x256xi32> to vector<1x256xi32>
    %broadcast_in_dim3A_69 = vector.broadcast %broadcast_in_dim3A_68 : vector<1x256xi32> to vector<64x256xi32>
    %eq3A_70 = arith.cmpi eq, %iota3A_45, %broadcast_in_dim3A_69 : vector<64x256xi32>
    %convert_element_type3A_71 = arith.extui %eq3A_70 : vector<64x256xi1> to vector<64x256xi32>
    %convert_element_type3A_72 = arith.sitofp %convert_element_type3A_71 : vector<64x256xi32> to vector<64x256xf32>
    %dot_general3A_73 = arith.constant dense<0.000000e+00> : vector<64x128xf32>
    %dot_general3A_74 = tpu.matmul %convert_element_type3A_72, %select_n3A_40, %dot_general3A_73 {dimension_numbers = #tpu.dot_dimension_numbers<[1], [0], [0], [1], [0, 0, 1, 1], [], []>, transpose_lhs_hint = false} : vector<64x256xf32>, vector<256x128xf32>, vector<64x128xf32> -> vector<64x128xf32>
    %slice3A_75 = vector.extract_strided_slice %dot_general3A_74 {offsets = [0, 32], sizes = [64, 16], strides = [1, 1]} : vector<64x128xf32> to vector<64x16xf32>
    %add3A_76 = arith.addf %add3A_66, %slice3A_75 : vector<64x16xf32>
    %slice3A_77 = vector.extract_strided_slice %reshape3A {offsets = [3, 0], sizes = [1, 256], strides = [1, 1]} : vector<8x256xi32> to vector<1x256xi32>
    %broadcast_in_dim3A_78 = vector.shape_cast %slice3A_77 : vector<1x256xi32> to vector<1x256xi32>
    %broadcast_in_dim3A_79 = vector.broadcast %broadcast_in_dim3A_78 : vector<1x256xi32> to vector<64x256xi32>
    %eq3A_80 = arith.cmpi eq, %iota3A_45, %broadcast_in_dim3A_79 : vector<64x256xi32>
    %convert_element_type3A_81 = arith.extui %eq3A_80 : vector<64x256xi1> to vector<64x256xi32>
    %convert_element_type3A_82 = arith.sitofp %convert_element_type3A_81 : vector<64x256xi32> to vector<64x256xf32>
    %dot_general3A_83 = arith.constant dense<0.000000e+00> : vector<64x128xf32>
    %dot_general3A_84 = tpu.matmul %convert_element_type3A_82, %select_n3A_40, %dot_general3A_83 {dimension_numbers = #tpu.dot_dimension_numbers<[1], [0], [0], [1], [0, 0, 1, 1], [], []>, transpose_lhs_hint = false} : vector<64x256xf32>, vector<256x128xf32>, vector<64x128xf32> -> vector<64x128xf32>
    %slice3A_85 = vector.extract_strided_slice %dot_general3A_84 {offsets = [0, 48], sizes = [64, 16], strides = [1, 1]} : vector<64x128xf32> to vector<64x16xf32>
    %add3A_86 = arith.addf %add3A_76, %slice3A_85 : vector<64x16xf32>
    %slice3A_87 = vector.extract_strided_slice %reshape3A {offsets = [4, 0], sizes = [1, 256], strides = [1, 1]} : vector<8x256xi32> to vector<1x256xi32>
    %broadcast_in_dim3A_88 = vector.shape_cast %slice3A_87 : vector<1x256xi32> to vector<1x256xi32>
    %broadcast_in_dim3A_89 = vector.broadcast %broadcast_in_dim3A_88 : vector<1x256xi32> to vector<64x256xi32>
    %eq3A_90 = arith.cmpi eq, %iota3A_45, %broadcast_in_dim3A_89 : vector<64x256xi32>
    %convert_element_type3A_91 = arith.extui %eq3A_90 : vector<64x256xi1> to vector<64x256xi32>
    %convert_element_type3A_92 = arith.sitofp %convert_element_type3A_91 : vector<64x256xi32> to vector<64x256xf32>
    %dot_general3A_93 = arith.constant dense<0.000000e+00> : vector<64x128xf32>
    %dot_general3A_94 = tpu.matmul %convert_element_type3A_92, %select_n3A_40, %dot_general3A_93 {dimension_numbers = #tpu.dot_dimension_numbers<[1], [0], [0], [1], [0, 0, 1, 1], [], []>, transpose_lhs_hint = false} : vector<64x256xf32>, vector<256x128xf32>, vector<64x128xf32> -> vector<64x128xf32>
    %slice3A_95 = vector.extract_strided_slice %dot_general3A_94 {offsets = [0, 64], sizes = [64, 16], strides = [1, 1]} : vector<64x128xf32> to vector<64x16xf32>
    %add3A_96 = arith.addf %add3A_86, %slice3A_95 : vector<64x16xf32>
    %slice3A_97 = vector.extract_strided_slice %reshape3A {offsets = [5, 0], sizes = [1, 256], strides = [1, 1]} : vector<8x256xi32> to vector<1x256xi32>
    %broadcast_in_dim3A_98 = vector.shape_cast %slice3A_97 : vector<1x256xi32> to vector<1x256xi32>
    %broadcast_in_dim3A_99 = vector.broadcast %broadcast_in_dim3A_98 : vector<1x256xi32> to vector<64x256xi32>
    %eq3A_100 = arith.cmpi eq, %iota3A_45, %broadcast_in_dim3A_99 : vector<64x256xi32>
    %convert_element_type3A_101 = arith.extui %eq3A_100 : vector<64x256xi1> to vector<64x256xi32>
    %convert_element_type3A_102 = arith.sitofp %convert_element_type3A_101 : vector<64x256xi32> to vector<64x256xf32>
    %dot_general3A_103 = arith.constant dense<0.000000e+00> : vector<64x128xf32>
    %dot_general3A_104 = tpu.matmul %convert_element_type3A_102, %select_n3A_40, %dot_general3A_103 {dimension_numbers = #tpu.dot_dimension_numbers<[1], [0], [0], [1], [0, 0, 1, 1], [], []>, transpose_lhs_hint = false} : vector<64x256xf32>, vector<256x128xf32>, vector<64x128xf32> -> vector<64x128xf32>
    %slice3A_105 = vector.extract_strided_slice %dot_general3A_104 {offsets = [0, 80], sizes = [64, 16], strides = [1, 1]} : vector<64x128xf32> to vector<64x16xf32>
    %add3A_106 = arith.addf %add3A_96, %slice3A_105 : vector<64x16xf32>
    %slice3A_107 = vector.extract_strided_slice %reshape3A {offsets = [6, 0], sizes = [1, 256], strides = [1, 1]} : vector<8x256xi32> to vector<1x256xi32>
    %broadcast_in_dim3A_108 = vector.shape_cast %slice3A_107 : vector<1x256xi32> to vector<1x256xi32>
    %broadcast_in_dim3A_109 = vector.broadcast %broadcast_in_dim3A_108 : vector<1x256xi32> to vector<64x256xi32>
    %eq3A_110 = arith.cmpi eq, %iota3A_45, %broadcast_in_dim3A_109 : vector<64x256xi32>
    %convert_element_type3A_111 = arith.extui %eq3A_110 : vector<64x256xi1> to vector<64x256xi32>
    %convert_element_type3A_112 = arith.sitofp %convert_element_type3A_111 : vector<64x256xi32> to vector<64x256xf32>
    %dot_general3A_113 = arith.constant dense<0.000000e+00> : vector<64x128xf32>
    %dot_general3A_114 = tpu.matmul %convert_element_type3A_112, %select_n3A_40, %dot_general3A_113 {dimension_numbers = #tpu.dot_dimension_numbers<[1], [0], [0], [1], [0, 0, 1, 1], [], []>, transpose_lhs_hint = false} : vector<64x256xf32>, vector<256x128xf32>, vector<64x128xf32> -> vector<64x128xf32>
    %slice3A_115 = vector.extract_strided_slice %dot_general3A_114 {offsets = [0, 96], sizes = [64, 16], strides = [1, 1]} : vector<64x128xf32> to vector<64x16xf32>
    %add3A_116 = arith.addf %add3A_106, %slice3A_115 : vector<64x16xf32>
    %slice3A_117 = vector.extract_strided_slice %reshape3A {offsets = [7, 0], sizes = [1, 256], strides = [1, 1]} : vector<8x256xi32> to vector<1x256xi32>
    %broadcast_in_dim3A_118 = vector.shape_cast %slice3A_117 : vector<1x256xi32> to vector<1x256xi32>
    %broadcast_in_dim3A_119 = vector.broadcast %broadcast_in_dim3A_118 : vector<1x256xi32> to vector<64x256xi32>
    %eq3A_120 = arith.cmpi eq, %iota3A_45, %broadcast_in_dim3A_119 : vector<64x256xi32>
    %convert_element_type3A_121 = arith.extui %eq3A_120 : vector<64x256xi1> to vector<64x256xi32>
    %convert_element_type3A_122 = arith.sitofp %convert_element_type3A_121 : vector<64x256xi32> to vector<64x256xf32>
    %dot_general3A_123 = arith.constant dense<0.000000e+00> : vector<64x128xf32>
    %dot_general3A_124 = tpu.matmul %convert_element_type3A_122, %select_n3A_40, %dot_general3A_123 {dimension_numbers = #tpu.dot_dimension_numbers<[1], [0], [0], [1], [0, 0, 1, 1], [], []>, transpose_lhs_hint = false} : vector<64x256xf32>, vector<256x128xf32>, vector<64x128xf32> -> vector<64x128xf32>
    %slice3A_125 = vector.extract_strided_slice %dot_general3A_124 {offsets = [0, 112], sizes = [64, 16], strides = [1, 1]} : vector<64x128xf32> to vector<64x16xf32>
    %add3A_126 = arith.addf %add3A_116, %slice3A_125 : vector<64x16xf32>
    %get3A_127 = arith.constant 0 : index
    %get3A_128 = arith.constant 0 : index
    %get3A_129 = vector.load %arg7[%get3A_127, %get3A_128] : memref<64x16xf32, #tpu.memory_space<vmem>>, vector<64x16xf32>
    %add3A_130 = arith.addf %get3A_129, %add3A_126 : vector<64x16xf32>
    %swap3A = arith.constant 0 : index
    %swap3A_131 = arith.constant 0 : index
    %swap3A_132 = vector.load %arg7[%swap3A, %swap3A_131] : memref<64x16xf32, #tpu.memory_space<vmem>>, vector<64x16xf32>
    tpu.vector_store %arg7[%swap3A, %swap3A_131], %add3A_130 {strides = array<i32>} : memref<64x16xf32, #tpu.memory_space<vmem>>, vector<64x16xf32>,
    %eq3A_133 = arith.constant 4 : i32
    %eq3A_134 = arith.cmpi eq, %arg0, %eq3A_133 : i32
    %convert_element_type3A_135 = arith.extui %eq3A_134 : i1 to i32
    %cond3A_136 = arith.constant 0 : i32
    %cond3A_137 = arith.cmpi ne, %convert_element_type3A_135, %cond3A_136 : i32
    scf.if %cond3A_137 {
      %get3A_138 = arith.constant 0 : index
      %get3A_139 = arith.constant 0 : index
      %get3A_140 = vector.load %arg7[%get3A_138, %get3A_139] : memref<64x16xf32, #tpu.memory_space<vmem>>, vector<64x16xf32>
      %slice3A_141 = vector.extract_strided_slice %get3A_140 {offsets = [0, 10], sizes = [64, 1], strides = [1, 1]} : vector<64x16xf32> to vector<64x1xf32>
      %max3A = arith.constant 1.000000e+00 : f32
      %max3A_142 = vector.broadcast %max3A : f32 to vector<64x1xf32>
      %max3A_143 = arith.maximumf %slice3A_141, %max3A_142 : vector<64x1xf32>
      %div3A = vector.broadcast %max3A_143 : vector<64x1xf32> to vector<64x16xf32>
      %div3A_144 = arith.divf %get3A_140, %div3A : vector<64x16xf32>
      %get3A_145 = arith.constant 0 : index
      %get3A_146 = arith.constant 0 : index
      %get3A_147 = vector.load %arg4[%get3A_145, %get3A_146] : memref<1x16xf32, #tpu.memory_space<vmem>>, vector<1x16xf32>
      %gt3A = arith.constant 0.000000e+00 : f32
      %gt3A_148 = vector.broadcast %gt3A : f32 to vector<64x1xf32>
      %gt3A_149 = arith.cmpf ogt, %slice3A_141, %gt3A_148 : vector<64x1xf32>
      %convert_element_type3A_150 = arith.extui %gt3A_149 : vector<64x1xi1> to vector<64x1xi32>
      %convert_element_type3A_151 = arith.sitofp %convert_element_type3A_150 : vector<64x1xi32> to vector<64x1xf32>
      %mul3A_152 = vector.broadcast %get3A_147 : vector<1x16xf32> to vector<64x16xf32>
      %mul3A_153 = vector.broadcast %convert_element_type3A_151 : vector<64x1xf32> to vector<64x16xf32>
      %mul3A_154 = arith.mulf %mul3A_152, %mul3A_153 : vector<64x16xf32>
      %add3A_155 = arith.addf %div3A_144, %mul3A_154 : vector<64x16xf32>
      %iota3A_156 = tpu.iota {dimensions = array<i32: 1>} : vector<64x16xi32>
      %lt3A_157 = arith.constant 10 : i32
      %lt3A_158 = vector.broadcast %lt3A_157 : i32 to vector<64x16xi32>
      %lt3A_159 = arith.cmpi slt, %iota3A_156, %lt3A_158 : vector<64x16xi32>
      %jit3A_160 = arith.constant -1.000000e+30 : f32
      %broadcast_in_dim3A_161 = vector.broadcast %jit3A_160 : f32 to vector<64x16xf32>
      %select_n3A_162 = arith.select %lt3A_159, %add3A_155, %broadcast_in_dim3A_161 : vector<64x16xi1>, vector<64x16xf32>
      %reduce_max3A = arith.constant dense<0xFF800000> : vector<64xf32>
      %reduce_max3A_163 = vector.multi_reduction <maximumf>, %select_n3A_162, %reduce_max3A [1] : vector<64x16xf32> to vector<64xf32>
      %broadcast_in_dim3A_164 = vector.shape_cast %reduce_max3A_163 : vector<64xf32> to vector<64x1xf32>
      %lt3A_165 = arith.constant 10 : i32
      %lt3A_166 = vector.broadcast %lt3A_165 : i32 to vector<64x16xi32>
      %lt3A_167 = arith.cmpi slt, %iota3A_156, %lt3A_166 : vector<64x16xi32>
      %sub3A = vector.broadcast %broadcast_in_dim3A_164 : vector<64x1xf32> to vector<64x16xf32>
      %sub3A_168 = arith.subf %add3A_155, %sub3A : vector<64x16xf32>
      %exp3A = math.exp %sub3A_168 : vector<64x16xf32>
      %jit3A_169 = arith.constant 0.000000e+00 : f32
      %broadcast_in_dim3A_170 = vector.broadcast %jit3A_169 : f32 to vector<64x16xf32>
      %select_n3A_171 = arith.select %lt3A_167, %exp3A, %broadcast_in_dim3A_170 : vector<64x16xi1>, vector<64x16xf32>
      %reduce_sum3A = arith.constant dense<0.000000e+00> : vector<64xf32>
      %reduce_sum3A_172 = vector.multi_reduction <add>, %select_n3A_171, %reduce_sum3A [1] : vector<64x16xf32> to vector<64xf32>
      %broadcast_in_dim3A_173 = vector.shape_cast %reduce_sum3A_172 : vector<64xf32> to vector<64x1xf32>
      %log3A = math.log %broadcast_in_dim3A_173 : vector<64x1xf32>
      %sub3A_174 = vector.broadcast %broadcast_in_dim3A_164 : vector<64x1xf32> to vector<64x16xf32>
      %sub3A_175 = arith.subf %add3A_155, %sub3A_174 : vector<64x16xf32>
      %sub3A_176 = vector.broadcast %log3A : vector<64x1xf32> to vector<64x16xf32>
      %sub3A_177 = arith.subf %sub3A_175, %sub3A_176 : vector<64x16xf32>
      %slice3A_178 = vector.extract_strided_slice %sub3A_177 {offsets = [0, 0], sizes = [64, 10], strides = [1, 1]} : vector<64x16xf32> to vector<64x10xf32>
      %swap3A_179 = arith.constant 0 : index
      %swap3A_180 = arith.constant 0 : index
      %swap3A_181 = vector.load %arg6[%swap3A_179, %swap3A_180] : memref<64x10xf32, #tpu.memory_space<vmem>>, vector<64x10xf32>
      tpu.vector_store %arg6[%swap3A_179, %swap3A_180], %slice3A_178 {strides = array<i32>} : memref<64x10xf32, #tpu.memory_space<vmem>>, vector<64x10xf32>,
    } else {
    }
    return
  }
  func.func @transform_0(%arg0: i32) -> (i32, i32, i32) {
    %c0_i32 = arith.constant 0 : i32
    %c0_i32_0 = arith.constant 0 : i32
    %c0_i32_1 = arith.constant 0 : i32
    return %c0_i32, %arg0, %c0_i32_0 : i32, i32, i32
  }
  func.func @transform_1(%arg0: i32) -> (i32, i32) {
    %c0_i32 = arith.constant 0 : i32
    %c0_i32_0 = arith.constant 0 : i32
    return %arg0, %c0_i32 : i32, i32
  }
  func.func @transform_2(%arg0: i32) -> (i32, i32) {
    %c0_i32 = arith.constant 0 : i32
    %c0_i32_0 = arith.constant 0 : i32
    return %arg0, %c0_i32 : i32, i32
  }
  func.func @transform_3(%arg0: i32) -> (i32, i32) {
    %c0_i32 = arith.constant 0 : i32
    %c0_i32_0 = arith.constant 0 : i32
    %c0_i32_1 = arith.constant 0 : i32
    return %c0_i32, %c0_i32_0 : i32, i32
  }
  func.func @transform_4(%arg0: i32) -> (i32, i32, i32) {
    %c0_i32 = arith.constant 0 : i32
    %c0_i32_0 = arith.constant 0 : i32
    %c0_i32_1 = arith.constant 0 : i32
    return %arg0, %c0_i32, %c0_i32_0 : i32, i32, i32
  }
  func.func @transform_5(%arg0: i32) -> (i32, i32) {
    %c0_i32 = arith.constant 0 : i32
    %c0_i32_0 = arith.constant 0 : i32
    %c0_i32_1 = arith.constant 0 : i32
    return %c0_i32, %c0_i32_0 : i32, i32
  }
}

</mosaic_0001>

<sc_bundles>
// kernel: kernel.12.cloned.1.call-start
scs
__scs_entry_jumppad:
0x0: {  	(pc) =	sbr.rel $0x88, $3  }
0x1: {  	(tag) =	ssettag $0x0;
	lr =	simm.s32 $0x1  }
0x2: {  	[smem:$0x3F9A] =	sst lr;
	_ =	strace $0xD0000000  }
0x3: {  	_ = 	snop  }
0x4: {  	_ = 	snop  }
0x5: {  	_ = 	snop  }
0x6: {  	_ = 	snop  }
0x7: {  	_ = 	snop  }
__scs_overlays_trampoline_lowered:
0x8: {  	[smem:$0x3FA9] =	sst s0  }
0x9: {  	[smem:$0x3FAA] =	sst s1  }
0xa: {  	[smem:$0x3FAB] =	sst s2  }
0xb: {  	[smem:$0x3FAC] =	sst s3  }
0xc: {  	[smem:$0x3FAD] =	sst s4  }
0xd: {  	[smem:$0x3FAE] =	sst s5  }
0xe: {  	[smem:$0x3FAF] =	sst s6  }
0xf: {  	[smem:$0x3FB0] =	sst s7  }
0x10: {  	[smem:$0x3FB1] =	sst s8  }
0x11: {  	[smem:$0x3FB2] =	sst s9;
	s0 =	simm.s32 @!p0 $0x0  }
0x12: {  	s1 =	sld [smem:$0x3F98];
	s0 =	simm.s32 @p0 $0x1  }
0x13: {  	[smem:$0x3FB3] =	sst s0;
	s0 =	simm.s32 @!p1 $0x0  }
0x14: {  	s2 =	sld [smem:$0x3F97];
	s0 =	simm.s32 @p1 $0x1  }
0x15: {  	[smem:$0x3FB4] =	sst s0;
	s0 =	simm.s32 @!p2 $0x0  }
0x16: {  	s3 =	sld [smem:$0x3FDB];
	s0 =	simm.s32 @p2 $0x1  }
0x17: {  	s4 =	simm.s32 $0x1BF5;
	[smem:$0x3FB6] =	sst s0  }
0x18: {  	s0 =	sld [smem:$0x3F99];
	_ =	swait.ge [sflag:s4], $0x0  }
0x19: {  	s7 =	sld [smem:$0x3F9A]  }
0x1a: {  	s8 =	sadd.s32 $0xFFFFE003, lr  }
0x1b: {  	s9 =	sadd.s32 $0xFFFFFEF7, lr;
	s5 =	simm.s32 $0xFFFFFFFF;
	p2 =	slt.u32 s8, $0xFFFFF086  }
0x1c: {  	p1 =	slt.u32 s9, $0xF7A;
	s5 =	simm.s32 @!p2 $0x0  }
0x1d: {  	s5 =	simm.s32 @p1 $0x1;
	p0 =	seq.s32 s7, s2  }
0x1e: {  	s7 =	smul.u32 @!p0 $0xF7A, s2;
	p2 =	seq.s32 @!p0 s5, $0x0  }
0x1f: {  	s9 =	smul.u32 $0xF7A, s1;
	s8 =	simm.s32 @!p0 $0x1BF5;
	p2 =	por !p2, p0  }
0x20: {  	[sflag:s8] =	ssyncset.s32 @!p0 $0xFFFFF086;
	s6 =	sadd.s32 @!p0 s3, s7;
	s7 =	simm.s32 @!p0 $0x108  }
0x21: {  	s3 =	sadd.s32 s3, s9;
	s6 =	sadd.s32 @!p0 $0x88, s6;
	s7 =	simm.s32 @p2 $0x1082  }
0x22: {  	[simem:s7], [sflag:s8] =	dma.local @!p0 [hbm:s6], $0xF7A  }
0x23: {  	s9 =	sor.u32 $0xD0000000, s2;
	s6 =	simm.s32 $0x108;
	_ =	swait.ge @!p0 [sflag:s8], $0x0  }
0x24: {  	s3 =	sadd.s32 $0x88, s3;
	s6 =	simm.s32 @!p1 $0x1082;
	[sflag:s4] =	ssyncset.s32 $0xFFFFF086  }
0x25: {  	[simem:s6], [sflag:s4] =	dma.local [hbm:s3], $0xF7A  }
0x26: {  	[smem:$0x3F9A] =	sst s1;
	(tag) =	ssettag s2;
	_ =	strace s9  }
0x27: {  	s1 =	sld [smem:$0x3FAA]  }
0x28: {  	s2 =	sld [smem:$0x3FAB]  }
0x29: {  	s4 =	sld [smem:$0x3FAD]  }
0x2a: {  	p0 =	seq.s32 s5, $0x0;
	s5 =	sld [smem:$0x3FAE]  }
0x2b: {  	s6 =	sld [smem:$0x3FAF]  }
0x2c: {  	s7 =	sld [smem:$0x3FB0]  }
0x2d: {  	s3 =	simm.s32 $0x108;
	s8 =	sld [smem:$0x3FB1]  }
0x2e: {  	s3 =	simm.s32 @!p0 $0x1082;
	s9 =	sld [smem:$0x3FB2]  }
0x2f: {  	lr =	sadd.s32 s0, s3;
	s0 =	sld [smem:$0x3FA9]  }
0x30: {  	s3 =	sld [smem:$0x3FAC]  }
0x31: {  	[smem:$0x3FB5] =	sst s10  }
0x32: {  	s10 =	sld [smem:$0x3FB3];
	_ =	sdelay $0x3  }
0x33: {  	p0 =	seq.s32 s10, $0x1;
	s10 =	sld [smem:$0x3FB5];
	_ =	sdelay $0x3  }
0x34: {  	[smem:$0x3FB5] =	sst s10  }
0x35: {  	s10 =	sld [smem:$0x3FB4];
	_ =	sdelay $0x3  }
0x36: {  	p1 =	seq.s32 s10, $0x1;
	s10 =	sld [smem:$0x3FB5];
	_ =	sdelay $0x3  }
0x37: {  	[smem:$0x3FB5] =	sst s10  }
0x38: {  	s10 =	sld [smem:$0x3FB6]  }
0x39: {  	_ = 	snop;
	(pc) =	sbr.ind lr, $3  }
0x3a: {  	_ = 	snop  }
0x3b: {  	_ = 	snop  }
0x3c: {  	p2 =	seq.s32 s10, $0x1;
	s10 =	sld [smem:$0x3FB5]  }
0x3d: {  	_ =	shalt  }
0x3e: {  	_ =	shalt  }
0x3f: {  	_ =	shalt  }
0x40: {  	_ =	shalt  }
0x41: {  	_ =	shalt  }
0x42: {  	_ =	shalt  }
0x43: {  	_ =	shalt  }
0x44: {  	_ =	shalt  }
0x45: {  	_ =	shalt  }
0x46: {  	_ =	shalt  }
0x47: {  	_ =	shalt  }
0x48: {  	_ =	shalt  }
0x49: {  	_ =	shalt  }
0x4a: {  	_ =	shalt  }
0x4b: {  	_ =	shalt  }
0x4c: {  	_ =	shalt  }
0x4d: {  	_ =	shalt  }
0x4e: {  	_ =	shalt  }
0x4f: {  	_ =	shalt  }
0x50: {  	_ =	shalt  }
0x51: {  	_ =	shalt  }
0x52: {  	_ =	shalt  }
0x53: {  	_ =	shalt  }
0x54: {  	_ =	shalt  }
0x55: {  	_ =	shalt  }
0x56: {  	_ =	shalt  }
0x57: {  	_ =	shalt  }
0x58: {  	_ =	shalt  }
0x59: {  	_ =	shalt  }
0x5a: {  	_ =	shalt  }
0x5b: {  	_ =	shalt  }
0x5c: {  	_ =	shalt  }
0x5d: {  	_ =	shalt  }
0x5e: {  	_ =	shalt  }
0x5f: {  	_ =	shalt  }
0x60: {  	_ =	shalt  }
0x61: {  	_ =	shalt  }
0x62: {  	_ =	shalt  }
0x63: {  	_ =	shalt  }
0x64: {  	_ =	shalt  }
0x65: {  	_ =	shalt  }
0x66: {  	_ =	shalt  }
0x67: {  	_ =	shalt  }
0x68: {  	_ =	shalt  }
0x69: {  	_ =	shalt  }
0x6a: {  	_ =	shalt  }
0x6b: {  	_ =	shalt  }
0x6c: {  	_ =	shalt  }
0x6d: {  	_ =	shalt  }
0x6e: {  	_ =	shalt  }
0x6f: {  	_ =	shalt  }
0x70: {  	_ =	shalt  }
0x71: {  	_ =	shalt  }
0x72: {  	_ =	shalt  }
0x73: {  	_ =	shalt  }
0x74: {  	_ =	shalt  }
0x75: {  	_ =	shalt  }
0x76: {  	_ =	shalt  }
0x77: {  	_ =	shalt  }
0x78: {  	_ =	shalt  }
0x79: {  	_ =	shalt  }
0x7a: {  	_ =	shalt  }
0x7b: {  	_ =	shalt  }
0x7c: {  	_ =	shalt  }
0x7d: {  	_ =	shalt  }
0x7e: {  	_ =	shalt  }
0x7f: {  	_ =	shalt  }
0x80: {  	_ =	shalt  }
0x81: {  	_ =	shalt  }
0x82: {  	_ =	shalt  }
0x83: {  	_ =	shalt  }
0x84: {  	_ =	shalt  }
0x85: {  	_ =	shalt  }
0x86: {  	_ =	shalt  }
0x87: {  	_ =	shalt  }
.Lfunc_end0:
.L_simem_size_0:
called_computation.1_lowered:
.L_overlay_start_0:
0x88: {  	s2 =	sld [smem:$0x3FD9]  }
0x89: {  	s3 =	sld [smem:$0x3FFE];
	_ =	sdelay $0x1  }
0x8a: {  	s1 =	srdreg.scid  }
0x8b: {  	s0 =	sand.u32 $0x1, s1  }
0x8c: {  	s16 =	sshll.u32 s0, $0xA;
	s2 =	sadd.s32 s3, s2  }
0x8d: {  	s2 =	sadd.s32 s2, s16  }
0x8e: {  	[smem:$0x3FC1] =	sst s2  }
0x8f: {  	_ = 	snop  }
0x90: {  	(tm) =	ssettm $0x1  }
0x91: {  	s17 =	sld [smem:$0x3FFB];
	_ =	sdelay $0x3  }
0x92: {  	_ =	strace s17  }
0x93: {  	s2 =	sld [smem:$0x3FFC];
	_ =	sdelay $0x3  }
0x94: {  	_ =	strace s2  }
0x95: {  	s2 =	sld [smem:$0x3FFD];
	_ =	sdelay $0x3  }
0x96: {  	_ =	strace s2  }
0x97: {  	_ =	strace $0x8FFFFFFF  }
0x98: {  	s18 =	sld [smem:$0x3FDB];
	_ =	sdelay $0x1  }
0x99: {  	s19 =	simm.s32 $_scs_section_size  }
0x9a: {  	s4 =	simm.s32 $_size__tile_overlayer_lowered;
	s5 =	simm.s32 $_tile_overlayer_lowered  }
0x9b: {  	s22 =	simm.s32 $0x1BFF;
	s21 =	sshll.u32 s5, $0x1;
	s2 =	sadd.s32 s19, s18  }
0x9c: {  	s6 =	simm.s32 $0x0;
	s20 =	sshll.u32 s4, $0x1;
	s4 =	sadd.s32 s21, s2  }
0x9d: {  	[timem:s6], [sflag:s22] =	dma.local [hbm:s4], s20  }
0x9e: {  	_ =	swait.ge [sflag:s22], s20  }
0x9f: {  	s3 =	ssub.s32 $0x0, s20;
	[sflag:s22] =	ssyncset.done $0x0  }
0xa0: {  	[sflag:s22] =	ssyncadd.s32 s3;
	_ =	sdelay $0x1  }
0xa1: {  	s23 =	simm.s32 $0x1B8B  }
0xa2: {  	_ =	swait.ge [sflag:s23], $0x1  }
0xa3: {  	[sflag:s23] =	ssyncset.done $0x0  }
0xa4: {  	s25 =	simm.s32 $0x1B8E;
	s24 =	sld [smem:$0x3FFE];
	[sflag:s23] =	ssyncadd.s32 $0xFFFFFFFF  }
0xa5: {  	s26 =	simm.s32 $execute0_lowered;
	[smem:$0x3FD2] =	sst s25  }
0xa6: {  	s4 =	sshll.u32 s26, $0x1;
	_ =	strace $0x80000049;
	[dreg:$0x1] =	wrdreg $0xFFFFFFFF  }
0xa7: {  	s28 =	simm.s32 $_size_execute0_lowered;
	s2 =	sadd.s32 s2, s4;
	[dreg:$0x0] =	wrdreg $0x0  }
0xa8: {  	s4 =	sshll.u32 s28, $0x1;
	[dreg:$0x2] =	wrdreg s2  }
0xa9: {  	[dreg:$0x3] =	wrdreg s4  }
0xaa: {  	[dreg:$0x4] =	wrdreg $0xC0  }
0xab: {  	_ =	task [dreg:s6], $0x5FFFF  }
0xac: {  	[dreg:$0x1] =	wrdreg $0xFFFFFFFF  }
0xad: {  	[dreg:$0x0] =	wrdreg $0x60  }
0xae: {  	[dreg:$0x2] =	wrdreg s24  }
0xaf: {  	[dreg:$0x3] =	wrdreg $0x186C00  }
0xb0: {  	[dreg:$0x4] =	wrdreg $0x1AEC00  }
0xb1: {  	[dreg:$0x5] =	wrdreg $0x9  }
0xb2: {  	_ =	task.clear_ibuf [dreg:s6], $0x6FFFF;
	_ =	strace $0x90000049  }
0xb3: {  	s29 =	simm.s32 $0x9;
	_ =	strace $0x8000004B  }
0xb4: {  	_ =	swait.ge [sflag:s29], $0x1  }
0xb5: {  	[sflag:s29] =	ssyncadd.s32 $0xFFFFFFFF  }
0xb6: {  	_ =	strace $0x9000004B  }
0xb7: {  	_ =	sfence  }
0xb8: {  	s30 =	sld [smem:$0x0];
	_ =	sdelay $0x2  }
0xb9: {  	s31 =	sshll.u32 s1, $0xD;
	s1 =	sshrl.u32 s1, $0x2  }
0xba: {  	s3 =	sand.u32 $0x4000, s31;
	s1 =	sadd.s32 s1, s30  }
0xbb: {  	s0 =	sor.u32 s3, s0;
	s1 =	sshll.u32 s1, $0x11  }
0xbc: {  	s0 =	sor.u32 s1, s0  }
0xbd: {  	s0 =	sadd.s32 $0x8F2B, s0  }
0xbe: {  	[sflag:s0] =	ssyncadd.remote.s32 $0x1  }
0xbf: {  	_ =	sfence.sel $0xFFFF  }
0xc0: {  	[dreg:$0x0] =	wrdreg $0xFFFFFFFF;
	(pc) =	sbr.abs _section_cstart, $3  }
0xc1: {  	[dreg:$0x1] =	wrdreg $0xFFFFFFFF  }
0xc2: {  	_ =	task.clear_ibuf [dreg:s6], $0x2FFFF;
	_ =	strace $0x9FFFFFFF  }
0xc3: {  	(tm) =	ssettm $0x7FFFFFFF  }
tec
execute0_lowered:
.L_overlay_start_1:
0x0: {  	(tag) =	ssettag $0x1  }
0x1: {  	s0 =	srdreg.scid  }
0x2: {  	s29 =	sand.u32 $0x1, s0  }
0x3: {  	s0 =	stileid.u32;
	s1 =	sshll.u32 s29, $0x4  }
0x4: {  	s28 =	rddreg [dreg:$0x0];
	s1 =	sor.u32 s0, s1  }
0x5: {  	s2 =	rddreg [dreg:$0x1];
	s5 =	smul.u32 $0x2720, s1  }
0x6: {  	s3 =	rddreg [dreg:$0x2];
	s4 =	simm.s32 $0x0  }
0x7: {  	[smem:$0x7FF] =	sst s4;
	s5 =	sshrl.u32 s5, $0x3  }
0x8: {  	s1 =	rddreg [dreg:$0x3];
	s7 =	sadd.s32 s5, s28  }
0x9: {  	_ =	strace $0x8000004A;
	s5 =	simm.s32 $0x5;
	s6 =	sadd.s32 $0x2E00, s7  }
0xa: {  	[tilespmem:s4], [sflag:$0x5] =	stream.linear.gather [hbm4b:s6+s4], $0x2720, $0x38;
	[tilespmem:$0x1D6C0] =	vst v63  }
0xb: {  	_ =	swait.ge [sflag:s5], $0x2720  }
0xc: {  	s8 =	simm.s32 $0x2720;
	s30 =	smul.u32 $0x2800, s0;
	[sflag:s5] =	ssyncset.done $0x0  }
0xd: {  	s10 =	sshll.u32 s0, $0x6;
	s7 =	sadd.s32 $0xCA80, s7;
	[sflag:s5] =	ssyncadd.s32 $0xFFFFD8E0  }
0xe: {  	[tilespmem:s8], [sflag:$0x5] =	stream.linear.gather [hbm4b:s7+s4], $0x2720, $0x38;
	[tilespmem:$0x1D6C0] =	vst v63  }
0xf: {  	s10 =	sor.u32 $0x1C05, s10;
	s9 =	sshrl.u32 s30, $0x3;
	_ =	swait.ge [sflag:s5], $0x2720  }
0x10: {  	s11 =	sadd.s32 s30, s2;
	s12 =	sadd.s32 s9, s28;
	[sflag:s5] =	ssyncset.done $0x0  }
0x11: {  	s11 =	sshrl.u32 s11, $0x3;
	s9 =	sadd.s32 $0x1B800, s12;
	[sflag:s5] =	ssyncadd.s32 $0xFFFFD8E0  }
0x12: {  	[spmem:s11], [sflag:s10] =	dma.local [hbm:s9], $0x500  }
0x13: {  	_ =	swait.ge [sflag:s5], $0x500  }
0x14: {  	s13 =	sadd.s32 s30, s3;
	[sflag:s5] =	ssyncset.done $0x0  }
0x15: {  	s13 =	sshrl.u32 s13, $0x3;
	s12 =	sadd.s32 $0x16800, s12;
	[sflag:s5] =	ssyncadd.s32 $0xFFFFFB00  }
0x16: {  	[spmem:s13], [sflag:s10] =	dma.local [hbm:s12], $0x500  }
0x17: {  	_ =	swait.ge [sflag:s5], $0x500  }
0x18: {  	[sflag:s5] =	ssyncset.done $0x0  }
0x19: {  	s14 =	simm.s32 $0x9C4;
	[sflag:s5] =	ssyncadd.s32 $0xFFFFFB00  }
0x1a: {  	s15 =	simm.s32 $0x4E40;
	s16 =	simm.s32 $0x1;
	[bflag:$0x0] =	sbarrier.arrive $0xFFFF  }
0x1b: {  	[tilespmem:s15], [sflag:$0x1] =	stream.indirect.gather [spmem:s2], $0x10, s4, s14, $0xb8;
	[tilespmem:$0x1D6C0] =	vst v63  }
0x1c: {  	_ =	swait.ge [sflag:s16], $0x9C40  }
0x1d: {  	[sflag:s16] =	ssyncset.done $0x0  }
0x1e: {  	[sflag:s16] =	ssyncadd.s32 $0xFFFF63C0  }
0x1f: {  	[spmem:s3] =	stream.indirect.scatter.add.f32 [tilespmem:s15], [sflag:$0x3], $0x10, s8, s14, $0xb8;
	[tilespmem:$0x1D6C0] =	vst v63  }
0x20: {  	s17 =	simm.s32 $0x9C8;
	s18 =	simm.s32 $0xEA80;
	s19 =	simm.s32 $0x2  }
0x21: {  	[tilespmem:s18], [sflag:$0x2] =	stream.indirect.gather [spmem:s2], $0x10, s17, s14, $0xb8;
	[tilespmem:$0x1D6C0] =	vst v63  }
0x22: {  	_ =	swait.ge [sflag:s19], $0x9C40  }
0x23: {  	[sflag:s19] =	ssyncset.done $0x0  }
0x24: {  	s20 =	simm.s32 $0x30E8;
	s21 =	simm.s32 $0x3;
	[sflag:s19] =	ssyncadd.s32 $0xFFFF63C0  }
0x25: {  	[spmem:s3] =	stream.indirect.scatter.add.f32 [tilespmem:s18], [sflag:$0x4], $0x10, s20, s14, $0xb8;
	[tilespmem:$0x1D6C0] =	vst v63  }
0x26: {  	_ =	swait.ge [sflag:s21], $0x9C40  }
0x27: {  	[sflag:s21] =	ssyncset.done $0x0  }
0x28: {  	s22 =	simm.s32 $0x1390;
	[sflag:s21] =	ssyncadd.s32 $0xFFFF63C0  }
0x29: {  	[tilespmem:s15], [sflag:$0x1] =	stream.indirect.gather [spmem:s2], $0x10, s22, s14, $0xb8;
	[tilespmem:$0x1D6C0] =	vst v63  }
0x2a: {  	_ =	swait.ge [sflag:s16], $0x9C40  }
0x2b: {  	[sflag:s16] =	ssyncset.done $0x0  }
0x2c: {  	s23 =	simm.s32 $0x3AB0;
	s24 =	simm.s32 $0x4;
	[sflag:s16] =	ssyncadd.s32 $0xFFFF63C0  }
0x2d: {  	[spmem:s3] =	stream.indirect.scatter.add.f32 [tilespmem:s15], [sflag:$0x3], $0x10, s23, s14, $0xb8;
	[tilespmem:$0x1D6C0] =	vst v63  }
0x2e: {  	_ =	swait.ge [sflag:s24], $0x9C40  }
0x2f: {  	[sflag:s24] =	ssyncset.done $0x0  }
0x30: {  	s25 =	simm.s32 $0x1D58;
	[sflag:s24] =	ssyncadd.s32 $0xFFFF63C0  }
0x31: {  	[tilespmem:s18], [sflag:$0x2] =	stream.indirect.gather [spmem:s2], $0x10, s25, s14, $0xb8;
	[tilespmem:$0x1D6C0] =	vst v63  }
0x32: {  	_ =	swait.ge [sflag:s19], $0x9C40  }
0x33: {  	[sflag:s19] =	ssyncset.done $0x0  }
0x34: {  	s26 =	simm.s32 $0x4478;
	s31 =	smul.u32 $0x28000, s29;
	[sflag:s19] =	ssyncadd.s32 $0xFFFF63C0  }
0x35: {  	[spmem:s3] =	stream.indirect.scatter.add.f32 [tilespmem:s18], [sflag:$0x4], $0x10, s26, s14, $0xb8;
	[tilespmem:$0x1D6C0] =	vst v63  }
0x36: {  	s29 =	ssub.s32 $0x2, s29;
	_ =	swait.ge [sflag:s21], $0x9C40  }
0x37: {  	s30 =	sadd.s32 s30, s31;
	s31 =	sshrl.u32 s29, $0x1;
	[sflag:s21] =	ssyncset.done $0x0  }
0x38: {  	s29 =	ssub.s32 s29, s31;
	[sflag:s21] =	ssyncadd.s32 $0xFFFF63C0  }
0x39: {  	s29 =	smax.u32 s29, $0x1;
	_ =	swait.ge [sflag:s24], $0x9C40  }
0x3a: {  	s30 =	sshrl.u32 s30, $0x3;
	p0 =	sne.s32 s29, $0x1;
	[sflag:s24] =	ssyncset.done $0x0  }
.Ltmp0:
0x3b: {  	s28 =	sadd.s32 s30, s28;
	[sflag:s24] =	ssyncadd.s32 $0xFFFF63C0;
	(pc) =	sbr.rel @!p0 .LBB2_2-.Ltmp0, $4  }
0x3c: {  	s28 =	sadd.s32 $0x20800, s28;
	[bflag:$0x0] =	sbarrier.arrive $0xFFFF  }
0x3d: {  	[hbm:s28], [sflag:s10] =	dma.local [spmem:s13], $0x500  }
0x3e: {  	_ =	swait.ge [sflag:s5], $0x500  }
0x3f: {  	s29 =	sadd.s32 $0xFFFFFFFF, s29;
	[sflag:s5] =	ssyncset.done $0x0  }
.LBB2_1:
0x40: {  	p0 =	sne.s32 s29, $0x1;
	s29 =	sadd.s32 $0xFFFFFFFF, s29;
	[sflag:s5] =	ssyncadd.s32 $0xFFFFFB00  }
0x41: {  	[tilespmem:s4], [sflag:$0x5] =	stream.linear.gather [hbm4b:s6+s4], $0x2720, $0x38;
	[tilespmem:$0x1D6C0] =	vst v63  }
0x42: {  	_ =	swait.ge [sflag:s5], $0x2720  }
0x43: {  	[sflag:s5] =	ssyncset.done $0x0  }
0x44: {  	[sflag:s5] =	ssyncadd.s32 $0xFFFFD8E0  }
0x45: {  	[tilespmem:s8], [sflag:$0x5] =	stream.linear.gather [hbm4b:s7+s4], $0x2720, $0x38;
	[tilespmem:$0x1D6C0] =	vst v63  }
0x46: {  	_ =	swait.ge [sflag:s5], $0x2720  }
0x47: {  	[sflag:s5] =	ssyncset.done $0x0  }
0x48: {  	[sflag:s5] =	ssyncadd.s32 $0xFFFFD8E0  }
0x49: {  	[spmem:s11], [sflag:s10] =	dma.local [hbm:s9], $0x500  }
0x4a: {  	_ =	swait.ge [sflag:s5], $0x500  }
0x4b: {  	[sflag:s5] =	ssyncset.done $0x0  }
0x4c: {  	[sflag:s5] =	ssyncadd.s32 $0xFFFFFB00  }
0x4d: {  	[spmem:s13], [sflag:s10] =	dma.local [hbm:s12], $0x500  }
0x4e: {  	_ =	swait.ge [sflag:s5], $0x500  }
0x4f: {  	[sflag:s5] =	ssyncset.done $0x0  }
0x50: {  	[sflag:s5] =	ssyncadd.s32 $0xFFFFFB00  }
0x51: {  	[bflag:$0x0] =	sbarrier.arrive $0xFFFF  }
0x52: {  	[tilespmem:s15], [sflag:$0x1] =	stream.indirect.gather [spmem:s2], $0x10, s4, s14, $0xb8;
	[tilespmem:$0x1D6C0] =	vst v63  }
0x53: {  	_ =	swait.ge [sflag:s16], $0x9C40  }
0x54: {  	[sflag:s16] =	ssyncset.done $0x0  }
0x55: {  	[sflag:s16] =	ssyncadd.s32 $0xFFFF63C0  }
0x56: {  	[spmem:s3] =	stream.indirect.scatter.add.f32 [tilespmem:s15], [sflag:$0x3], $0x10, s8, s14, $0xb8;
	[tilespmem:$0x1D6C0] =	vst v63  }
0x57: {  	_ = 	snop  }
0x58: {  	[tilespmem:s18], [sflag:$0x2] =	stream.indirect.gather [spmem:s2], $0x10, s17, s14, $0xb8;
	[tilespmem:$0x1D6C0] =	vst v63  }
0x59: {  	_ =	swait.ge [sflag:s19], $0x9C40  }
0x5a: {  	[sflag:s19] =	ssyncset.done $0x0  }
0x5b: {  	[sflag:s19] =	ssyncadd.s32 $0xFFFF63C0  }
0x5c: {  	[spmem:s3] =	stream.indirect.scatter.add.f32 [tilespmem:s18], [sflag:$0x4], $0x10, s20, s14, $0xb8;
	[tilespmem:$0x1D6C0] =	vst v63  }
0x5d: {  	_ =	swait.ge [sflag:s21], $0x9C40  }
0x5e: {  	[sflag:s21] =	ssyncset.done $0x0  }
0x5f: {  	[sflag:s21] =	ssyncadd.s32 $0xFFFF63C0  }
0x60: {  	[tilespmem:s15], [sflag:$0x1] =	stream.indirect.gather [spmem:s2], $0x10, s22, s14, $0xb8;
	[tilespmem:$0x1D6C0] =	vst v63  }
0x61: {  	_ =	swait.ge [sflag:s16], $0x9C40  }
0x62: {  	[sflag:s16] =	ssyncset.done $0x0  }
0x63: {  	[sflag:s16] =	ssyncadd.s32 $0xFFFF63C0  }
0x64: {  	[spmem:s3] =	stream.indirect.scatter.add.f32 [tilespmem:s15], [sflag:$0x3], $0x10, s23, s14, $0xb8;
	[tilespmem:$0x1D6C0] =	vst v63  }
0x65: {  	_ =	swait.ge [sflag:s24], $0x9C40  }
0x66: {  	[sflag:s24] =	ssyncset.done $0x0  }
0x67: {  	[sflag:s24] =	ssyncadd.s32 $0xFFFF63C0  }
0x68: {  	[tilespmem:s18], [sflag:$0x2] =	stream.indirect.gather [spmem:s2], $0x10, s25, s14, $0xb8;
	[tilespmem:$0x1D6C0] =	vst v63  }
0x69: {  	_ =	swait.ge [sflag:s19], $0x9C40  }
0x6a: {  	[sflag:s19] =	ssyncset.done $0x0  }
0x6b: {  	[sflag:s19] =	ssyncadd.s32 $0xFFFF63C0  }
0x6c: {  	[spmem:s3] =	stream.indirect.scatter.add.f32 [tilespmem:s18], [sflag:$0x4], $0x10, s26, s14, $0xb8;
	[tilespmem:$0x1D6C0] =	vst v63  }
0x6d: {  	_ =	swait.ge [sflag:s21], $0x9C40  }
0x6e: {  	[sflag:s21] =	ssyncset.done $0x0  }
0x6f: {  	[sflag:s21] =	ssyncadd.s32 $0xFFFF63C0  }
0x70: {  	_ =	swait.ge [sflag:s24], $0x9C40  }
0x71: {  	[sflag:s24] =	ssyncset.done $0x0  }
.Ltmp1:
0x72: {  	[sflag:s24] =	ssyncadd.s32 $0xFFFF63C0;
	(pc) =	sbr.rel @p0 .LBB2_1-.Ltmp1, $4  }
0x73: {  	[bflag:$0x0] =	sbarrier.arrive $0xFFFF  }
0x74: {  	[hbm:s28], [sflag:s10] =	dma.local [spmem:s13], $0x500  }
0x75: {  	_ =	swait.ge [sflag:s5], $0x500  }
0x76: {  	[sflag:s5] =	ssyncset.done $0x0  }
.LBB2_2:
0x77: {  	[sflag:s5] =	ssyncadd.s32 $0xFFFFFB00  }
0x78: {  	_ =	sfence.sel $0x180000  }
0x79: {  	[bflag:$0x0] =	sbarrier.arrive $0xFFFF  }
0x7a: {  	p0 =	sne.s32 s0, $0x0;
	_ =	strace $0x9000004A  }
0x7b: {  	s0 =	sadd.s32 @!p0 $0x100000, s1;
	[bflag:$0x2] =	sbarrier.arrive $0xFFFF  }
0x7c: {  	[sflag:s0] =	ssyncadd.tile.s32 @!p0 $0x1;
	_ =	shalt  }
.Lfunc_end2:
_tile_overlayer_lowered:
.L_overlay_start_2:
0x7d: {  	(tag) =	ssettag $0x2  }
0x7e: {  	s0 =	rddreg [dreg:$0x0];
	s2 =	stileid.u32  }
0x7f: {  	s1 =	rddreg [dreg:$0x1];
	p0 =	sne.s32 s2, $0x0  }
0x80: {  	s3 =	rddreg [dreg:$0x2];
	[bflag:$0x3] =	sbarrier.arrive $0xFFFF;
	s2 =	simm.s32 @!p0 $0x1C05  }
0x81: {  	[timem:s3], [sflag:s2] =	dma.local @!p0 [hbm:s0], s1  }
0x82: {  	s0 =	simm.s32 @!p0 $0x5  }
0x83: {  	_ =	swait.ge @!p0 [sflag:s0], s1  }
0x84: {  	s1 =	ssub.s32 @!p0 $0x0, s1;
	[sflag:s0] =	ssyncset.done @!p0 $0x0  }
0x85: {  	[sflag:s0] =	ssyncadd.s32 @!p0 s1  }
0x86: {  	[bflag:$0x3] =	sbarrier.arrive $0xFFFF  }
0x87: {  	_ =	shalt  }

// kernel: kernel.15.cloned.1.call-start
scs
__scs_entry_jumppad:
0x0: {  	(pc) =	sbr.rel $0x88, $3  }
0x1: {  	(tag) =	ssettag $0x0;
	lr =	simm.s32 $0x1  }
0x2: {  	[smem:$0x3F9A] =	sst lr;
	_ =	strace $0xD0000000  }
0x3: {  	_ = 	snop  }
0x4: {  	_ = 	snop  }
0x5: {  	_ = 	snop  }
0x6: {  	_ = 	snop  }
0x7: {  	_ = 	snop  }
__scs_overlays_trampoline_lowered:
0x8: {  	[smem:$0x3FA9] =	sst s0  }
0x9: {  	[smem:$0x3FAA] =	sst s1  }
0xa: {  	[smem:$0x3FAB] =	sst s2  }
0xb: {  	[smem:$0x3FAC] =	sst s3  }
0xc: {  	[smem:$0x3FAD] =	sst s4  }
0xd: {  	[smem:$0x3FAE] =	sst s5  }
0xe: {  	[smem:$0x3FAF] =	sst s6  }
0xf: {  	[smem:$0x3FB0] =	sst s7  }
0x10: {  	[smem:$0x3FB1] =	sst s8  }
0x11: {  	[smem:$0x3FB2] =	sst s9;
	s0 =	simm.s32 @!p0 $0x0  }
0x12: {  	s1 =	sld [smem:$0x3F98];
	s0 =	simm.s32 @p0 $0x1  }
0x13: {  	[smem:$0x3FB3] =	sst s0;
	s0 =	simm.s32 @!p1 $0x0  }
0x14: {  	s2 =	sld [smem:$0x3F97];
	s0 =	simm.s32 @p1 $0x1  }
0x15: {  	[smem:$0x3FB4] =	sst s0;
	s0 =	simm.s32 @!p2 $0x0  }
0x16: {  	s3 =	sld [smem:$0x3FDB];
	s0 =	simm.s32 @p2 $0x1  }
0x17: {  	s4 =	simm.s32 $0x1BF5;
	[smem:$0x3FB6] =	sst s0  }
0x18: {  	s0 =	sld [smem:$0x3F99];
	_ =	swait.ge [sflag:s4], $0x0  }
0x19: {  	s7 =	sld [smem:$0x3F9A]  }
0x1a: {  	s8 =	sadd.s32 $0xFFFFE003, lr  }
0x1b: {  	s9 =	sadd.s32 $0xFFFFFEF7, lr;
	s5 =	simm.s32 $0xFFFFFFFF;
	p2 =	slt.u32 s8, $0xFFFFF086  }
0x1c: {  	p1 =	slt.u32 s9, $0xF7A;
	s5 =	simm.s32 @!p2 $0x0  }
0x1d: {  	s5 =	simm.s32 @p1 $0x1;
	p0 =	seq.s32 s7, s2  }
0x1e: {  	s7 =	smul.u32 @!p0 $0xF7A, s2;
	p2 =	seq.s32 @!p0 s5, $0x0  }
0x1f: {  	s9 =	smul.u32 $0xF7A, s1;
	s8 =	simm.s32 @!p0 $0x1BF5;
	p2 =	por !p2, p0  }
0x20: {  	[sflag:s8] =	ssyncset.s32 @!p0 $0xFFFFF086;
	s6 =	sadd.s32 @!p0 s3, s7;
	s7 =	simm.s32 @!p0 $0x108  }
0x21: {  	s3 =	sadd.s32 s3, s9;
	s6 =	sadd.s32 @!p0 $0x88, s6;
	s7 =	simm.s32 @p2 $0x1082  }
0x22: {  	[simem:s7], [sflag:s8] =	dma.local @!p0 [hbm:s6], $0xF7A  }
0x23: {  	s9 =	sor.u32 $0xD0000000, s2;
	s6 =	simm.s32 $0x108;
	_ =	swait.ge @!p0 [sflag:s8], $0x0  }
0x24: {  	s3 =	sadd.s32 $0x88, s3;
	s6 =	simm.s32 @!p1 $0x1082;
	[sflag:s4] =	ssyncset.s32 $0xFFFFF086  }
0x25: {  	[simem:s6], [sflag:s4] =	dma.local [hbm:s3], $0xF7A  }
0x26: {  	[smem:$0x3F9A] =	sst s1;
	(tag) =	ssettag s2;
	_ =	strace s9  }
0x27: {  	s1 =	sld [smem:$0x3FAA]  }
0x28: {  	s2 =	sld [smem:$0x3FAB]  }
0x29: {  	s4 =	sld [smem:$0x3FAD]  }
0x2a: {  	p0 =	seq.s32 s5, $0x0;
	s5 =	sld [smem:$0x3FAE]  }
0x2b: {  	s6 =	sld [smem:$0x3FAF]  }
0x2c: {  	s7 =	sld [smem:$0x3FB0]  }
0x2d: {  	s3 =	simm.s32 $0x108;
	s8 =	sld [smem:$0x3FB1]  }
0x2e: {  	s3 =	simm.s32 @!p0 $0x1082;
	s9 =	sld [smem:$0x3FB2]  }
0x2f: {  	lr =	sadd.s32 s0, s3;
	s0 =	sld [smem:$0x3FA9]  }
0x30: {  	s3 =	sld [smem:$0x3FAC]  }
0x31: {  	[smem:$0x3FB5] =	sst s10  }
0x32: {  	s10 =	sld [smem:$0x3FB3];
	_ =	sdelay $0x3  }
0x33: {  	p0 =	seq.s32 s10, $0x1;
	s10 =	sld [smem:$0x3FB5];
	_ =	sdelay $0x3  }
0x34: {  	[smem:$0x3FB5] =	sst s10  }
0x35: {  	s10 =	sld [smem:$0x3FB4];
	_ =	sdelay $0x3  }
0x36: {  	p1 =	seq.s32 s10, $0x1;
	s10 =	sld [smem:$0x3FB5];
	_ =	sdelay $0x3  }
0x37: {  	[smem:$0x3FB5] =	sst s10  }
0x38: {  	s10 =	sld [smem:$0x3FB6]  }
0x39: {  	_ = 	snop;
	(pc) =	sbr.ind lr, $3  }
0x3a: {  	_ = 	snop  }
0x3b: {  	_ = 	snop  }
0x3c: {  	p2 =	seq.s32 s10, $0x1;
	s10 =	sld [smem:$0x3FB5]  }
0x3d: {  	_ =	shalt  }
0x3e: {  	_ =	shalt  }
0x3f: {  	_ =	shalt  }
0x40: {  	_ =	shalt  }
0x41: {  	_ =	shalt  }
0x42: {  	_ =	shalt  }
0x43: {  	_ =	shalt  }
0x44: {  	_ =	shalt  }
0x45: {  	_ =	shalt  }
0x46: {  	_ =	shalt  }
0x47: {  	_ =	shalt  }
0x48: {  	_ =	shalt  }
0x49: {  	_ =	shalt  }
0x4a: {  	_ =	shalt  }
0x4b: {  	_ =	shalt  }
0x4c: {  	_ =	shalt  }
0x4d: {  	_ =	shalt  }
0x4e: {  	_ =	shalt  }
0x4f: {  	_ =	shalt  }
0x50: {  	_ =	shalt  }
0x51: {  	_ =	shalt  }
0x52: {  	_ =	shalt  }
0x53: {  	_ =	shalt  }
0x54: {  	_ =	shalt  }
0x55: {  	_ =	shalt  }
0x56: {  	_ =	shalt  }
0x57: {  	_ =	shalt  }
0x58: {  	_ =	shalt  }
0x59: {  	_ =	shalt  }
0x5a: {  	_ =	shalt  }
0x5b: {  	_ =	shalt  }
0x5c: {  	_ =	shalt  }
0x5d: {  	_ =	shalt  }
0x5e: {  	_ =	shalt  }
0x5f: {  	_ =	shalt  }
0x60: {  	_ =	shalt  }
0x61: {  	_ =	shalt  }
0x62: {  	_ =	shalt  }
0x63: {  	_ =	shalt  }
0x64: {  	_ =	shalt  }
0x65: {  	_ =	shalt  }
0x66: {  	_ =	shalt  }
0x67: {  	_ =	shalt  }
0x68: {  	_ =	shalt  }
0x69: {  	_ =	shalt  }
0x6a: {  	_ =	shalt  }
0x6b: {  	_ =	shalt  }
0x6c: {  	_ =	shalt  }
0x6d: {  	_ =	shalt  }
0x6e: {  	_ =	shalt  }
0x6f: {  	_ =	shalt  }
0x70: {  	_ =	shalt  }
0x71: {  	_ =	shalt  }
0x72: {  	_ =	shalt  }
0x73: {  	_ =	shalt  }
0x74: {  	_ =	shalt  }
0x75: {  	_ =	shalt  }
0x76: {  	_ =	shalt  }
0x77: {  	_ =	shalt  }
0x78: {  	_ =	shalt  }
0x79: {  	_ =	shalt  }
0x7a: {  	_ =	shalt  }
0x7b: {  	_ =	shalt  }
0x7c: {  	_ =	shalt  }
0x7d: {  	_ =	shalt  }
0x7e: {  	_ =	shalt  }
0x7f: {  	_ =	shalt  }
0x80: {  	_ =	shalt  }
0x81: {  	_ =	shalt  }
0x82: {  	_ =	shalt  }
0x83: {  	_ =	shalt  }
0x84: {  	_ =	shalt  }
0x85: {  	_ =	shalt  }
0x86: {  	_ =	shalt  }
0x87: {  	_ =	shalt  }
.Lfunc_end0:
.L_simem_size_0:
called_computation.2_lowered:
.L_overlay_start_0:
0x88: {  	s2 =	sld [smem:$0x3FD9]  }
0x89: {  	s3 =	sld [smem:$0x3FFE];
	_ =	sdelay $0x1  }
0x8a: {  	s1 =	srdreg.scid  }
0x8b: {  	s0 =	sand.u32 $0x1, s1  }
0x8c: {  	s16 =	sshll.u32 s0, $0xA;
	s2 =	sadd.s32 s3, s2  }
0x8d: {  	s2 =	sadd.s32 s2, s16  }
0x8e: {  	[smem:$0x3FC1] =	sst s2  }
0x8f: {  	_ = 	snop  }
0x90: {  	(tm) =	ssettm $0x1  }
0x91: {  	s17 =	sld [smem:$0x3FFB];
	_ =	sdelay $0x3  }
0x92: {  	_ =	strace s17  }
0x93: {  	s2 =	sld [smem:$0x3FFC];
	_ =	sdelay $0x3  }
0x94: {  	_ =	strace s2  }
0x95: {  	s2 =	sld [smem:$0x3FFD];
	_ =	sdelay $0x3  }
0x96: {  	_ =	strace s2  }
0x97: {  	_ =	strace $0x8FFFFFFF  }
0x98: {  	s18 =	sld [smem:$0x3FDB];
	_ =	sdelay $0x1  }
0x99: {  	s19 =	simm.s32 $_scs_section_size  }
0x9a: {  	s4 =	simm.s32 $_size__tile_overlayer_lowered;
	s5 =	simm.s32 $_tile_overlayer_lowered  }
0x9b: {  	s22 =	simm.s32 $0x1BFF;
	s21 =	sshll.u32 s5, $0x1;
	s2 =	sadd.s32 s19, s18  }
0x9c: {  	s6 =	simm.s32 $0x0;
	s20 =	sshll.u32 s4, $0x1;
	s4 =	sadd.s32 s21, s2  }
0x9d: {  	[timem:s6], [sflag:s22] =	dma.local [hbm:s4], s20  }
0x9e: {  	_ =	swait.ge [sflag:s22], s20  }
0x9f: {  	s3 =	ssub.s32 $0x0, s20;
	[sflag:s22] =	ssyncset.done $0x0  }
0xa0: {  	[sflag:s22] =	ssyncadd.s32 s3;
	_ =	sdelay $0x1  }
0xa1: {  	s23 =	simm.s32 $0x1B8B  }
0xa2: {  	_ =	swait.ge [sflag:s23], $0x1  }
0xa3: {  	[sflag:s23] =	ssyncset.done $0x0  }
0xa4: {  	s25 =	simm.s32 $0x1B8E;
	s24 =	sld [smem:$0x3FFE];
	[sflag:s23] =	ssyncadd.s32 $0xFFFFFFFF  }
0xa5: {  	s26 =	simm.s32 $execute0_lowered;
	[smem:$0x3FD2] =	sst s25  }
0xa6: {  	s4 =	sshll.u32 s26, $0x1;
	_ =	strace $0x8000004C;
	[dreg:$0x1] =	wrdreg $0xFFFFFFFF  }
0xa7: {  	s28 =	simm.s32 $_size_execute0_lowered;
	s2 =	sadd.s32 s2, s4;
	[dreg:$0x0] =	wrdreg $0x0  }
0xa8: {  	s4 =	sshll.u32 s28, $0x1;
	[dreg:$0x2] =	wrdreg s2  }
0xa9: {  	[dreg:$0x3] =	wrdreg s4  }
0xaa: {  	[dreg:$0x4] =	wrdreg $0xC0  }
0xab: {  	_ =	task [dreg:s6], $0x5FFFF  }
0xac: {  	[dreg:$0x1] =	wrdreg $0xFFFFFFFF  }
0xad: {  	[dreg:$0x0] =	wrdreg $0x60  }
0xae: {  	[dreg:$0x2] =	wrdreg s24  }
0xaf: {  	[dreg:$0x3] =	wrdreg $0x186C00  }
0xb0: {  	[dreg:$0x4] =	wrdreg $0x1AEC00  }
0xb1: {  	[dreg:$0x5] =	wrdreg $0x9  }
0xb2: {  	_ =	task.clear_ibuf [dreg:s6], $0x6FFFF;
	_ =	strace $0x9000004C  }
0xb3: {  	s29 =	simm.s32 $0x9;
	_ =	strace $0x8000004E  }
0xb4: {  	_ =	swait.ge [sflag:s29], $0x1  }
0xb5: {  	[sflag:s29] =	ssyncadd.s32 $0xFFFFFFFF  }
0xb6: {  	_ =	strace $0x9000004E  }
0xb7: {  	_ =	sfence  }
0xb8: {  	s30 =	sld [smem:$0x0];
	_ =	sdelay $0x2  }
0xb9: {  	s31 =	sshll.u32 s1, $0xD;
	s1 =	sshrl.u32 s1, $0x2  }
0xba: {  	s3 =	sand.u32 $0x4000, s31;
	s1 =	sadd.s32 s1, s30  }
0xbb: {  	s0 =	sor.u32 s3, s0;
	s1 =	sshll.u32 s1, $0x11  }
0xbc: {  	s0 =	sor.u32 s1, s0  }
0xbd: {  	s0 =	sadd.s32 $0x8F2B, s0  }
0xbe: {  	[sflag:s0] =	ssyncadd.remote.s32 $0x1  }
0xbf: {  	_ =	sfence.sel $0xFFFF  }
0xc0: {  	[dreg:$0x0] =	wrdreg $0xFFFFFFFF;
	(pc) =	sbr.abs _section_cstart, $3  }
0xc1: {  	[dreg:$0x1] =	wrdreg $0xFFFFFFFF  }
0xc2: {  	_ =	task.clear_ibuf [dreg:s6], $0x2FFFF;
	_ =	strace $0x9FFFFFFF  }
0xc3: {  	(tm) =	ssettm $0x7FFFFFFF  }
tec
execute0_lowered:
.L_overlay_start_1:
0x0: {  	(tag) =	ssettag $0x1  }
0x1: {  	s0 =	srdreg.scid  }
0x2: {  	s29 =	sand.u32 $0x1, s0  }
0x3: {  	s0 =	stileid.u32;
	s1 =	sshll.u32 s29, $0x4  }
0x4: {  	s28 =	rddreg [dreg:$0x0];
	s1 =	sor.u32 s0, s1  }
0x5: {  	s2 =	rddreg [dreg:$0x1];
	s5 =	smul.u32 $0x2720, s1  }
0x6: {  	s3 =	rddreg [dreg:$0x2];
	s4 =	simm.s32 $0x0  }
0x7: {  	[smem:$0x7FF] =	sst s4;
	s5 =	sshrl.u32 s5, $0x3  }
0x8: {  	s1 =	rddreg [dreg:$0x3];
	s7 =	sadd.s32 s5, s28  }
0x9: {  	_ =	strace $0x8000004D;
	s5 =	simm.s32 $0x5;
	s6 =	sadd.s32 $0x2E00, s7  }
0xa: {  	[tilespmem:s4], [sflag:$0x5] =	stream.linear.gather [hbm4b:s6+s4], $0x2720, $0x38;
	[tilespmem:$0x1D6C0] =	vst v63  }
0xb: {  	_ =	swait.ge [sflag:s5], $0x2720  }
0xc: {  	s8 =	simm.s32 $0x2720;
	s30 =	smul.u32 $0x2800, s0;
	[sflag:s5] =	ssyncset.done $0x0  }
0xd: {  	s10 =	sshll.u32 s0, $0x6;
	s7 =	sadd.s32 $0xCA80, s7;
	[sflag:s5] =	ssyncadd.s32 $0xFFFFD8E0  }
0xe: {  	[tilespmem:s8], [sflag:$0x5] =	stream.linear.gather [hbm4b:s7+s4], $0x2720, $0x38;
	[tilespmem:$0x1D6C0] =	vst v63  }
0xf: {  	s10 =	sor.u32 $0x1C05, s10;
	s9 =	sshrl.u32 s30, $0x3;
	_ =	swait.ge [sflag:s5], $0x2720  }
0x10: {  	s11 =	sadd.s32 s30, s2;
	s12 =	sadd.s32 s9, s28;
	[sflag:s5] =	ssyncset.done $0x0  }
0x11: {  	s11 =	sshrl.u32 s11, $0x3;
	s9 =	sadd.s32 $0x1B800, s12;
	[sflag:s5] =	ssyncadd.s32 $0xFFFFD8E0  }
0x12: {  	[spmem:s11], [sflag:s10] =	dma.local [hbm:s9], $0x500  }
0x13: {  	_ =	swait.ge [sflag:s5], $0x500  }
0x14: {  	s13 =	sadd.s32 s30, s3;
	[sflag:s5] =	ssyncset.done $0x0  }
0x15: {  	s13 =	sshrl.u32 s13, $0x3;
	s12 =	sadd.s32 $0x16800, s12;
	[sflag:s5] =	ssyncadd.s32 $0xFFFFFB00  }
0x16: {  	[spmem:s13], [sflag:s10] =	dma.local [hbm:s12], $0x500  }
0x17: {  	_ =	swait.ge [sflag:s5], $0x500  }
0x18: {  	[sflag:s5] =	ssyncset.done $0x0  }
0x19: {  	s14 =	simm.s32 $0x9C4;
	[sflag:s5] =	ssyncadd.s32 $0xFFFFFB00  }
0x1a: {  	s15 =	simm.s32 $0x4E40;
	s16 =	simm.s32 $0x1;
	[bflag:$0x0] =	sbarrier.arrive $0xFFFF  }
0x1b: {  	[tilespmem:s15], [sflag:$0x1] =	stream.indirect.gather [spmem:s2], $0x10, s4, s14, $0xb8;
	[tilespmem:$0x1D6C0] =	vst v63  }
0x1c: {  	_ =	swait.ge [sflag:s16], $0x9C40  }
0x1d: {  	[sflag:s16] =	ssyncset.done $0x0  }
0x1e: {  	[sflag:s16] =	ssyncadd.s32 $0xFFFF63C0  }
0x1f: {  	[spmem:s3] =	stream.indirect.scatter.add.f32 [tilespmem:s15], [sflag:$0x3], $0x10, s8, s14, $0xb8;
	[tilespmem:$0x1D6C0] =	vst v63  }
0x20: {  	s17 =	simm.s32 $0x9C8;
	s18 =	simm.s32 $0xEA80;
	s19 =	simm.s32 $0x2  }
0x21: {  	[tilespmem:s18], [sflag:$0x2] =	stream.indirect.gather [spmem:s2], $0x10, s17, s14, $0xb8;
	[tilespmem:$0x1D6C0] =	vst v63  }
0x22: {  	_ =	swait.ge [sflag:s19], $0x9C40  }
0x23: {  	[sflag:s19] =	ssyncset.done $0x0  }
0x24: {  	s20 =	simm.s32 $0x30E8;
	s21 =	simm.s32 $0x3;
	[sflag:s19] =	ssyncadd.s32 $0xFFFF63C0  }
0x25: {  	[spmem:s3] =	stream.indirect.scatter.add.f32 [tilespmem:s18], [sflag:$0x4], $0x10, s20, s14, $0xb8;
	[tilespmem:$0x1D6C0] =	vst v63  }
0x26: {  	_ =	swait.ge [sflag:s21], $0x9C40  }
0x27: {  	[sflag:s21] =	ssyncset.done $0x0  }
0x28: {  	s22 =	simm.s32 $0x1390;
	[sflag:s21] =	ssyncadd.s32 $0xFFFF63C0  }
0x29: {  	[tilespmem:s15], [sflag:$0x1] =	stream.indirect.gather [spmem:s2], $0x10, s22, s14, $0xb8;
	[tilespmem:$0x1D6C0] =	vst v63  }
0x2a: {  	_ =	swait.ge [sflag:s16], $0x9C40  }
0x2b: {  	[sflag:s16] =	ssyncset.done $0x0  }
0x2c: {  	s23 =	simm.s32 $0x3AB0;
	s24 =	simm.s32 $0x4;
	[sflag:s16] =	ssyncadd.s32 $0xFFFF63C0  }
0x2d: {  	[spmem:s3] =	stream.indirect.scatter.add.f32 [tilespmem:s15], [sflag:$0x3], $0x10, s23, s14, $0xb8;
	[tilespmem:$0x1D6C0] =	vst v63  }
0x2e: {  	_ =	swait.ge [sflag:s24], $0x9C40  }
0x2f: {  	[sflag:s24] =	ssyncset.done $0x0  }
0x30: {  	s25 =	simm.s32 $0x1D58;
	[sflag:s24] =	ssyncadd.s32 $0xFFFF63C0  }
0x31: {  	[tilespmem:s18], [sflag:$0x2] =	stream.indirect.gather [spmem:s2], $0x10, s25, s14, $0xb8;
	[tilespmem:$0x1D6C0] =	vst v63  }
0x32: {  	_ =	swait.ge [sflag:s19], $0x9C40  }
0x33: {  	[sflag:s19] =	ssyncset.done $0x0  }
0x34: {  	s26 =	simm.s32 $0x4478;
	s31 =	smul.u32 $0x28000, s29;
	[sflag:s19] =	ssyncadd.s32 $0xFFFF63C0  }
0x35: {  	[spmem:s3] =	stream.indirect.scatter.add.f32 [tilespmem:s18], [sflag:$0x4], $0x10, s26, s14, $0xb8;
	[tilespmem:$0x1D6C0] =	vst v63  }
0x36: {  	s29 =	ssub.s32 $0x2, s29;
	_ =	swait.ge [sflag:s21], $0x9C40  }
0x37: {  	s30 =	sadd.s32 s30, s31;
	s31 =	sshrl.u32 s29, $0x1;
	[sflag:s21] =	ssyncset.done $0x0  }
0x38: {  	s29 =	ssub.s32 s29, s31;
	[sflag:s21] =	ssyncadd.s32 $0xFFFF63C0  }
0x39: {  	s29 =	smax.u32 s29, $0x1;
	_ =	swait.ge [sflag:s24], $0x9C40  }
0x3a: {  	s30 =	sshrl.u32 s30, $0x3;
	p0 =	sne.s32 s29, $0x1;
	[sflag:s24] =	ssyncset.done $0x0  }
.Ltmp0:
0x3b: {  	s28 =	sadd.s32 s30, s28;
	[sflag:s24] =	ssyncadd.s32 $0xFFFF63C0;
	(pc) =	sbr.rel @!p0 .LBB2_2-.Ltmp0, $4  }
0x3c: {  	s28 =	sadd.s32 $0x20800, s28;
	[bflag:$0x0] =	sbarrier.arrive $0xFFFF  }
0x3d: {  	[hbm:s28], [sflag:s10] =	dma.local [spmem:s13], $0x500  }
0x3e: {  	_ =	swait.ge [sflag:s5], $0x500  }
0x3f: {  	s29 =	sadd.s32 $0xFFFFFFFF, s29;
	[sflag:s5] =	ssyncset.done $0x0  }
.LBB2_1:
0x40: {  	p0 =	sne.s32 s29, $0x1;
	s29 =	sadd.s32 $0xFFFFFFFF, s29;
	[sflag:s5] =	ssyncadd.s32 $0xFFFFFB00  }
0x41: {  	[tilespmem:s4], [sflag:$0x5] =	stream.linear.gather [hbm4b:s6+s4], $0x2720, $0x38;
	[tilespmem:$0x1D6C0] =	vst v63  }
0x42: {  	_ =	swait.ge [sflag:s5], $0x2720  }
0x43: {  	[sflag:s5] =	ssyncset.done $0x0  }
0x44: {  	[sflag:s5] =	ssyncadd.s32 $0xFFFFD8E0  }
0x45: {  	[tilespmem:s8], [sflag:$0x5] =	stream.linear.gather [hbm4b:s7+s4], $0x2720, $0x38;
	[tilespmem:$0x1D6C0] =	vst v63  }
0x46: {  	_ =	swait.ge [sflag:s5], $0x2720  }
0x47: {  	[sflag:s5] =	ssyncset.done $0x0  }
0x48: {  	[sflag:s5] =	ssyncadd.s32 $0xFFFFD8E0  }
0x49: {  	[spmem:s11], [sflag:s10] =	dma.local [hbm:s9], $0x500  }
0x4a: {  	_ =	swait.ge [sflag:s5], $0x500  }
0x4b: {  	[sflag:s5] =	ssyncset.done $0x0  }
0x4c: {  	[sflag:s5] =	ssyncadd.s32 $0xFFFFFB00  }
0x4d: {  	[spmem:s13], [sflag:s10] =	dma.local [hbm:s12], $0x500  }
0x4e: {  	_ =	swait.ge [sflag:s5], $0x500  }
0x4f: {  	[sflag:s5] =	ssyncset.done $0x0  }
0x50: {  	[sflag:s5] =	ssyncadd.s32 $0xFFFFFB00  }
0x51: {  	[bflag:$0x0] =	sbarrier.arrive $0xFFFF  }
0x52: {  	[tilespmem:s15], [sflag:$0x1] =	stream.indirect.gather [spmem:s2], $0x10, s4, s14, $0xb8;
	[tilespmem:$0x1D6C0] =	vst v63  }
0x53: {  	_ =	swait.ge [sflag:s16], $0x9C40  }
0x54: {  	[sflag:s16] =	ssyncset.done $0x0  }
0x55: {  	[sflag:s16] =	ssyncadd.s32 $0xFFFF63C0  }
0x56: {  	[spmem:s3] =	stream.indirect.scatter.add.f32 [tilespmem:s15], [sflag:$0x3], $0x10, s8, s14, $0xb8;
	[tilespmem:$0x1D6C0] =	vst v63  }
0x57: {  	_ = 	snop  }
0x58: {  	[tilespmem:s18], [sflag:$0x2] =	stream.indirect.gather [spmem:s2], $0x10, s17, s14, $0xb8;
	[tilespmem:$0x1D6C0] =	vst v63  }
0x59: {  	_ =	swait.ge [sflag:s19], $0x9C40  }
0x5a: {  	[sflag:s19] =	ssyncset.done $0x0  }
0x5b: {  	[sflag:s19] =	ssyncadd.s32 $0xFFFF63C0  }
0x5c: {  	[spmem:s3] =	stream.indirect.scatter.add.f32 [tilespmem:s18], [sflag:$0x4], $0x10, s20, s14, $0xb8;
	[tilespmem:$0x1D6C0] =	vst v63  }
0x5d: {  	_ =	swait.ge [sflag:s21], $0x9C40  }
0x5e: {  	[sflag:s21] =	ssyncset.done $0x0  }
0x5f: {  	[sflag:s21] =	ssyncadd.s32 $0xFFFF63C0  }
0x60: {  	[tilespmem:s15], [sflag:$0x1] =	stream.indirect.gather [spmem:s2], $0x10, s22, s14, $0xb8;
	[tilespmem:$0x1D6C0] =	vst v63  }
0x61: {  	_ =	swait.ge [sflag:s16], $0x9C40  }
0x62: {  	[sflag:s16] =	ssyncset.done $0x0  }
0x63: {  	[sflag:s16] =	ssyncadd.s32 $0xFFFF63C0  }
0x64: {  	[spmem:s3] =	stream.indirect.scatter.add.f32 [tilespmem:s15], [sflag:$0x3], $0x10, s23, s14, $0xb8;
	[tilespmem:$0x1D6C0] =	vst v63  }
0x65: {  	_ =	swait.ge [sflag:s24], $0x9C40  }
0x66: {  	[sflag:s24] =	ssyncset.done $0x0  }
0x67: {  	[sflag:s24] =	ssyncadd.s32 $0xFFFF63C0  }
0x68: {  	[tilespmem:s18], [sflag:$0x2] =	stream.indirect.gather [spmem:s2], $0x10, s25, s14, $0xb8;
	[tilespmem:$0x1D6C0] =	vst v63  }
0x69: {  	_ =	swait.ge [sflag:s19], $0x9C40  }
0x6a: {  	[sflag:s19] =	ssyncset.done $0x0  }
0x6b: {  	[sflag:s19] =	ssyncadd.s32 $0xFFFF63C0  }
0x6c: {  	[spmem:s3] =	stream.indirect.scatter.add.f32 [tilespmem:s18], [sflag:$0x4], $0x10, s26, s14, $0xb8;
	[tilespmem:$0x1D6C0] =	vst v63  }
0x6d: {  	_ =	swait.ge [sflag:s21], $0x9C40  }
0x6e: {  	[sflag:s21] =	ssyncset.done $0x0  }
0x6f: {  	[sflag:s21] =	ssyncadd.s32 $0xFFFF63C0  }
0x70: {  	_ =	swait.ge [sflag:s24], $0x9C40  }
0x71: {  	[sflag:s24] =	ssyncset.done $0x0  }
.Ltmp1:
0x72: {  	[sflag:s24] =	ssyncadd.s32 $0xFFFF63C0;
	(pc) =	sbr.rel @p0 .LBB2_1-.Ltmp1, $4  }
0x73: {  	[bflag:$0x0] =	sbarrier.arrive $0xFFFF  }
0x74: {  	[hbm:s28], [sflag:s10] =	dma.local [spmem:s13], $0x500  }
0x75: {  	_ =	swait.ge [sflag:s5], $0x500  }
0x76: {  	[sflag:s5] =	ssyncset.done $0x0  }
.LBB2_2:
0x77: {  	[sflag:s5] =	ssyncadd.s32 $0xFFFFFB00  }
0x78: {  	_ =	sfence.sel $0x180000  }
0x79: {  	[bflag:$0x0] =	sbarrier.arrive $0xFFFF  }
0x7a: {  	p0 =	sne.s32 s0, $0x0;
	_ =	strace $0x9000004D  }
0x7b: {  	s0 =	sadd.s32 @!p0 $0x100000, s1;
	[bflag:$0x2] =	sbarrier.arrive $0xFFFF  }
0x7c: {  	[sflag:s0] =	ssyncadd.tile.s32 @!p0 $0x1;
	_ =	shalt  }
.Lfunc_end2:
_tile_overlayer_lowered:
.L_overlay_start_2:
0x7d: {  	(tag) =	ssettag $0x2  }
0x7e: {  	s0 =	rddreg [dreg:$0x0];
	s2 =	stileid.u32  }
0x7f: {  	s1 =	rddreg [dreg:$0x1];
	p0 =	sne.s32 s2, $0x0  }
0x80: {  	s3 =	rddreg [dreg:$0x2];
	[bflag:$0x3] =	sbarrier.arrive $0xFFFF;
	s2 =	simm.s32 @!p0 $0x1C05  }
0x81: {  	[timem:s3], [sflag:s2] =	dma.local @!p0 [hbm:s0], s1  }
0x82: {  	s0 =	simm.s32 @!p0 $0x5  }
0x83: {  	_ =	swait.ge @!p0 [sflag:s0], s1  }
0x84: {  	s1 =	ssub.s32 @!p0 $0x0, s1;
	[sflag:s0] =	ssyncset.done @!p0 $0x0  }
0x85: {  	[sflag:s0] =	ssyncadd.s32 @!p0 s1  }
0x86: {  	[bflag:$0x3] =	sbarrier.arrive $0xFFFF  }
0x87: {  	_ =	shalt  }

// kernel: kernel.9.cloned.1.call-start
scs
__scs_entry_jumppad:
0x0: {  	(pc) =	sbr.rel $0x88, $3  }
0x1: {  	(tag) =	ssettag $0x0;
	lr =	simm.s32 $0x1  }
0x2: {  	[smem:$0x3F9A] =	sst lr;
	_ =	strace $0xD0000000  }
0x3: {  	_ = 	snop  }
0x4: {  	_ = 	snop  }
0x5: {  	_ = 	snop  }
0x6: {  	_ = 	snop  }
0x7: {  	_ = 	snop  }
__scs_overlays_trampoline_lowered:
0x8: {  	[smem:$0x3FA9] =	sst s0  }
0x9: {  	[smem:$0x3FAA] =	sst s1  }
0xa: {  	[smem:$0x3FAB] =	sst s2  }
0xb: {  	[smem:$0x3FAC] =	sst s3  }
0xc: {  	[smem:$0x3FAD] =	sst s4  }
0xd: {  	[smem:$0x3FAE] =	sst s5  }
0xe: {  	[smem:$0x3FAF] =	sst s6  }
0xf: {  	[smem:$0x3FB0] =	sst s7  }
0x10: {  	[smem:$0x3FB1] =	sst s8  }
0x11: {  	[smem:$0x3FB2] =	sst s9;
	s0 =	simm.s32 @!p0 $0x0  }
0x12: {  	s1 =	sld [smem:$0x3F98];
	s0 =	simm.s32 @p0 $0x1  }
0x13: {  	[smem:$0x3FB3] =	sst s0;
	s0 =	simm.s32 @!p1 $0x0  }
0x14: {  	s2 =	sld [smem:$0x3F97];
	s0 =	simm.s32 @p1 $0x1  }
0x15: {  	[smem:$0x3FB4] =	sst s0;
	s0 =	simm.s32 @!p2 $0x0  }
0x16: {  	s3 =	sld [smem:$0x3FDB];
	s0 =	simm.s32 @p2 $0x1  }
0x17: {  	s4 =	simm.s32 $0x1BF5;
	[smem:$0x3FB6] =	sst s0  }
0x18: {  	s0 =	sld [smem:$0x3F99];
	_ =	swait.ge [sflag:s4], $0x0  }
0x19: {  	s7 =	sld [smem:$0x3F9A]  }
0x1a: {  	s8 =	sadd.s32 $0xFFFFE003, lr  }
0x1b: {  	s9 =	sadd.s32 $0xFFFFFEF7, lr;
	s5 =	simm.s32 $0xFFFFFFFF;
	p2 =	slt.u32 s8, $0xFFFFF086  }
0x1c: {  	p1 =	slt.u32 s9, $0xF7A;
	s5 =	simm.s32 @!p2 $0x0  }
0x1d: {  	s5 =	simm.s32 @p1 $0x1;
	p0 =	seq.s32 s7, s2  }
0x1e: {  	s7 =	smul.u32 @!p0 $0xF7A, s2;
	p2 =	seq.s32 @!p0 s5, $0x0  }
0x1f: {  	s9 =	smul.u32 $0xF7A, s1;
	s8 =	simm.s32 @!p0 $0x1BF5;
	p2 =	por !p2, p0  }
0x20: {  	[sflag:s8] =	ssyncset.s32 @!p0 $0xFFFFF086;
	s6 =	sadd.s32 @!p0 s3, s7;
	s7 =	simm.s32 @!p0 $0x108  }
0x21: {  	s3 =	sadd.s32 s3, s9;
	s6 =	sadd.s32 @!p0 $0x88, s6;
	s7 =	simm.s32 @p2 $0x1082  }
0x22: {  	[simem:s7], [sflag:s8] =	dma.local @!p0 [hbm:s6], $0xF7A  }
0x23: {  	s9 =	sor.u32 $0xD0000000, s2;
	s6 =	simm.s32 $0x108;
	_ =	swait.ge @!p0 [sflag:s8], $0x0  }
0x24: {  	s3 =	sadd.s32 $0x88, s3;
	s6 =	simm.s32 @!p1 $0x1082;
	[sflag:s4] =	ssyncset.s32 $0xFFFFF086  }
0x25: {  	[simem:s6], [sflag:s4] =	dma.local [hbm:s3], $0xF7A  }
0x26: {  	[smem:$0x3F9A] =	sst s1;
	(tag) =	ssettag s2;
	_ =	strace s9  }
0x27: {  	s1 =	sld [smem:$0x3FAA]  }
0x28: {  	s2 =	sld [smem:$0x3FAB]  }
0x29: {  	s4 =	sld [smem:$0x3FAD]  }
0x2a: {  	p0 =	seq.s32 s5, $0x0;
	s5 =	sld [smem:$0x3FAE]  }
0x2b: {  	s6 =	sld [smem:$0x3FAF]  }
0x2c: {  	s7 =	sld [smem:$0x3FB0]  }
0x2d: {  	s3 =	simm.s32 $0x108;
	s8 =	sld [smem:$0x3FB1]  }
0x2e: {  	s3 =	simm.s32 @!p0 $0x1082;
	s9 =	sld [smem:$0x3FB2]  }
0x2f: {  	lr =	sadd.s32 s0, s3;
	s0 =	sld [smem:$0x3FA9]  }
0x30: {  	s3 =	sld [smem:$0x3FAC]  }
0x31: {  	[smem:$0x3FB5] =	sst s10  }
0x32: {  	s10 =	sld [smem:$0x3FB3];
	_ =	sdelay $0x3  }
0x33: {  	p0 =	seq.s32 s10, $0x1;
	s10 =	sld [smem:$0x3FB5];
	_ =	sdelay $0x3  }
0x34: {  	[smem:$0x3FB5] =	sst s10  }
0x35: {  	s10 =	sld [smem:$0x3FB4];
	_ =	sdelay $0x3  }
0x36: {  	p1 =	seq.s32 s10, $0x1;
	s10 =	sld [smem:$0x3FB5];
	_ =	sdelay $0x3  }
0x37: {  	[smem:$0x3FB5] =	sst s10  }
0x38: {  	s10 =	sld [smem:$0x3FB6]  }
0x39: {  	_ = 	snop;
	(pc) =	sbr.ind lr, $3  }
0x3a: {  	_ = 	snop  }
0x3b: {  	_ = 	snop  }
0x3c: {  	p2 =	seq.s32 s10, $0x1;
	s10 =	sld [smem:$0x3FB5]  }
0x3d: {  	_ =	shalt  }
0x3e: {  	_ =	shalt  }
0x3f: {  	_ =	shalt  }
0x40: {  	_ =	shalt  }
0x41: {  	_ =	shalt  }
0x42: {  	_ =	shalt  }
0x43: {  	_ =	shalt  }
0x44: {  	_ =	shalt  }
0x45: {  	_ =	shalt  }
0x46: {  	_ =	shalt  }
0x47: {  	_ =	shalt  }
0x48: {  	_ =	shalt  }
0x49: {  	_ =	shalt  }
0x4a: {  	_ =	shalt  }
0x4b: {  	_ =	shalt  }
0x4c: {  	_ =	shalt  }
0x4d: {  	_ =	shalt  }
0x4e: {  	_ =	shalt  }
0x4f: {  	_ =	shalt  }
0x50: {  	_ =	shalt  }
0x51: {  	_ =	shalt  }
0x52: {  	_ =	shalt  }
0x53: {  	_ =	shalt  }
0x54: {  	_ =	shalt  }
0x55: {  	_ =	shalt  }
0x56: {  	_ =	shalt  }
0x57: {  	_ =	shalt  }
0x58: {  	_ =	shalt  }
0x59: {  	_ =	shalt  }
0x5a: {  	_ =	shalt  }
0x5b: {  	_ =	shalt  }
0x5c: {  	_ =	shalt  }
0x5d: {  	_ =	shalt  }
0x5e: {  	_ =	shalt  }
0x5f: {  	_ =	shalt  }
0x60: {  	_ =	shalt  }
0x61: {  	_ =	shalt  }
0x62: {  	_ =	shalt  }
0x63: {  	_ =	shalt  }
0x64: {  	_ =	shalt  }
0x65: {  	_ =	shalt  }
0x66: {  	_ =	shalt  }
0x67: {  	_ =	shalt  }
0x68: {  	_ =	shalt  }
0x69: {  	_ =	shalt  }
0x6a: {  	_ =	shalt  }
0x6b: {  	_ =	shalt  }
0x6c: {  	_ =	shalt  }
0x6d: {  	_ =	shalt  }
0x6e: {  	_ =	shalt  }
0x6f: {  	_ =	shalt  }
0x70: {  	_ =	shalt  }
0x71: {  	_ =	shalt  }
0x72: {  	_ =	shalt  }
0x73: {  	_ =	shalt  }
0x74: {  	_ =	shalt  }
0x75: {  	_ =	shalt  }
0x76: {  	_ =	shalt  }
0x77: {  	_ =	shalt  }
0x78: {  	_ =	shalt  }
0x79: {  	_ =	shalt  }
0x7a: {  	_ =	shalt  }
0x7b: {  	_ =	shalt  }
0x7c: {  	_ =	shalt  }
0x7d: {  	_ =	shalt  }
0x7e: {  	_ =	shalt  }
0x7f: {  	_ =	shalt  }
0x80: {  	_ =	shalt  }
0x81: {  	_ =	shalt  }
0x82: {  	_ =	shalt  }
0x83: {  	_ =	shalt  }
0x84: {  	_ =	shalt  }
0x85: {  	_ =	shalt  }
0x86: {  	_ =	shalt  }
0x87: {  	_ =	shalt  }
.Lfunc_end0:
.L_simem_size_0:
called_computation_lowered:
.L_overlay_start_0:
0x88: {  	s2 =	sld [smem:$0x3FD9]  }
0x89: {  	s3 =	sld [smem:$0x3FFE];
	_ =	sdelay $0x1  }
0x8a: {  	s1 =	srdreg.scid  }
0x8b: {  	s0 =	sand.u32 $0x1, s1  }
0x8c: {  	s16 =	sshll.u32 s0, $0xA;
	s2 =	sadd.s32 s3, s2  }
0x8d: {  	s2 =	sadd.s32 s2, s16  }
0x8e: {  	[smem:$0x3FC1] =	sst s2  }
0x8f: {  	_ = 	snop  }
0x90: {  	(tm) =	ssettm $0x1  }
0x91: {  	s17 =	sld [smem:$0x3FFB];
	_ =	sdelay $0x3  }
0x92: {  	_ =	strace s17  }
0x93: {  	s2 =	sld [smem:$0x3FFC];
	_ =	sdelay $0x3  }
0x94: {  	_ =	strace s2  }
0x95: {  	s2 =	sld [smem:$0x3FFD];
	_ =	sdelay $0x3  }
0x96: {  	_ =	strace s2  }
0x97: {  	_ =	strace $0x8FFFFFFF  }
0x98: {  	s18 =	sld [smem:$0x3FDB];
	_ =	sdelay $0x1  }
0x99: {  	s19 =	simm.s32 $_scs_section_size  }
0x9a: {  	s4 =	simm.s32 $_size__tile_overlayer_lowered;
	s5 =	simm.s32 $_tile_overlayer_lowered  }
0x9b: {  	s22 =	simm.s32 $0x1BFF;
	s21 =	sshll.u32 s5, $0x1;
	s2 =	sadd.s32 s19, s18  }
0x9c: {  	s6 =	simm.s32 $0x0;
	s20 =	sshll.u32 s4, $0x1;
	s4 =	sadd.s32 s21, s2  }
0x9d: {  	[timem:s6], [sflag:s22] =	dma.local [hbm:s4], s20  }
0x9e: {  	_ =	swait.ge [sflag:s22], s20  }
0x9f: {  	s3 =	ssub.s32 $0x0, s20;
	[sflag:s22] =	ssyncset.done $0x0  }
0xa0: {  	[sflag:s22] =	ssyncadd.s32 s3;
	_ =	sdelay $0x1  }
0xa1: {  	s23 =	simm.s32 $0x1B8B  }
0xa2: {  	_ =	swait.ge [sflag:s23], $0x1  }
0xa3: {  	[sflag:s23] =	ssyncset.done $0x0  }
0xa4: {  	s25 =	simm.s32 $0x1B8E;
	s24 =	sld [smem:$0x3FFE];
	[sflag:s23] =	ssyncadd.s32 $0xFFFFFFFF  }
0xa5: {  	s26 =	simm.s32 $execute0_lowered;
	[smem:$0x3FD2] =	sst s25  }
0xa6: {  	s4 =	sshll.u32 s26, $0x1;
	_ =	strace $0x80000046;
	[dreg:$0x1] =	wrdreg $0xFFFFFFFF  }
0xa7: {  	s28 =	simm.s32 $_size_execute0_lowered;
	s2 =	sadd.s32 s2, s4;
	[dreg:$0x0] =	wrdreg $0x0  }
0xa8: {  	s4 =	sshll.u32 s28, $0x1;
	[dreg:$0x2] =	wrdreg s2  }
0xa9: {  	[dreg:$0x3] =	wrdreg s4  }
0xaa: {  	[dreg:$0x4] =	wrdreg $0xC0  }
0xab: {  	_ =	task [dreg:s6], $0x5FFFF  }
0xac: {  	[dreg:$0x1] =	wrdreg $0xFFFFFFFF  }
0xad: {  	[dreg:$0x0] =	wrdreg $0x60  }
0xae: {  	[dreg:$0x2] =	wrdreg s24  }
0xaf: {  	[dreg:$0x3] =	wrdreg $0xC3600  }
0xb0: {  	[dreg:$0x4] =	wrdreg $0x9  }
0xb1: {  	_ =	task.clear_ibuf [dreg:s6], $0x5FFFF;
	_ =	strace $0x90000046  }
0xb2: {  	s29 =	simm.s32 $0x9;
	_ =	strace $0x80000048  }
0xb3: {  	_ =	swait.ge [sflag:s29], $0x1  }
0xb4: {  	[sflag:s29] =	ssyncadd.s32 $0xFFFFFFFF  }
0xb5: {  	_ =	strace $0x90000048  }
0xb6: {  	_ =	sfence  }
0xb7: {  	s30 =	sld [smem:$0x0];
	_ =	sdelay $0x2  }
0xb8: {  	s31 =	sshll.u32 s1, $0xD;
	s1 =	sshrl.u32 s1, $0x2  }
0xb9: {  	s3 =	sand.u32 $0x4000, s31;
	s1 =	sadd.s32 s1, s30  }
0xba: {  	s0 =	sor.u32 s3, s0;
	s1 =	sshll.u32 s1, $0x11  }
0xbb: {  	s0 =	sor.u32 s1, s0  }
0xbc: {  	s0 =	sadd.s32 $0x8F2B, s0  }
0xbd: {  	[sflag:s0] =	ssyncadd.remote.s32 $0x1  }
0xbe: {  	_ =	sfence.sel $0xFFFF  }
0xbf: {  	[dreg:$0x0] =	wrdreg $0xFFFFFFFF;
	(pc) =	sbr.abs _section_cstart, $3  }
0xc0: {  	[dreg:$0x1] =	wrdreg $0xFFFFFFFF  }
0xc1: {  	_ =	task.clear_ibuf [dreg:s6], $0x2FFFF;
	_ =	strace $0x9FFFFFFF  }
0xc2: {  	(tm) =	ssettm $0x7FFFFFFF  }
0xc3: {  	_ =	shalt  }
tec
execute0_lowered:
.L_overlay_start_1:
0x0: {  	(tag) =	ssettag $0x1  }
0x1: {  	s0 =	srdreg.scid  }
0x2: {  	s16 =	sand.u32 $0x1, s0  }
0x3: {  	s0 =	stileid.u32;
	s1 =	sshll.u32 s16, $0x4  }
0x4: {  	s1 =	sor.u32 s0, s1  }
0x5: {  	s17 =	rddreg [dreg:$0x0];
	s4 =	smul.u32 $0x2720, s1  }
0x6: {  	s2 =	rddreg [dreg:$0x1];
	s3 =	simm.s32 $0x0  }
0x7: {  	[smem:$0x7FF] =	sst s3;
	s4 =	sshrl.u32 s4, $0x3  }
0x8: {  	s1 =	rddreg [dreg:$0x2];
	s4 =	sadd.s32 s17, s4  }
0x9: {  	_ =	strace $0x80000047;
	s5 =	sadd.s32 $0xCA80, s4;
	s4 =	simm.s32 $0x2  }
0xa: {  	[tilespmem:s3], [sflag:$0x2] =	stream.linear.gather [hbm4b:s5+s3], $0x2720, $0x38;
	[tilespmem:$0xEB60] =	vst v63  }
0xb: {  	_ =	swait.ge [sflag:s4], $0x2720  }
0xc: {  	s7 =	simm.s32 $0x2720;
	s6 =	sadd.s32 $0x1B800, s17;
	[sflag:s4] =	ssyncset.done $0x0  }
0xd: {  	s18 =	smul.u32 $0x2800, s0;
	s9 =	sshll.u32 s0, $0x6;
	[sflag:s4] =	ssyncadd.s32 $0xFFFFD8E0  }
0xe: {  	[tilespmem:s7], [sflag:$0x2] =	stream.linear.gather [hbm4b:s6+s3], $0x9C40, $0x38;
	[tilespmem:$0xEB60] =	vst v63  }
0xf: {  	s9 =	sor.u32 $0x1C02, s9;
	s8 =	sshrl.u32 s18, $0x3;
	_ =	swait.ge [sflag:s4], $0x9C40  }
0x10: {  	s10 =	sadd.s32 s18, s2;
	s8 =	sadd.s32 s8, s17;
	[sflag:s4] =	ssyncset.done $0x0  }
0x11: {  	s10 =	sshrl.u32 s10, $0x3;
	s8 =	sadd.s32 $0x16800, s8;
	[sflag:s4] =	ssyncadd.s32 $0xFFFF63C0  }
0x12: {  	[spmem:s10], [sflag:s9] =	dma.local [hbm:s8], $0x500  }
0x13: {  	_ =	swait.ge [sflag:s4], $0x500  }
0x14: {  	[sflag:s4] =	ssyncset.done $0x0  }
0x15: {  	[sflag:s4] =	ssyncadd.s32 $0xFFFFFB00  }
0x16: {  	s11 =	simm.s32 $0x9C4;
	[bflag:$0x0] =	sbarrier.arrive $0xFFFF  }
0x17: {  	[spmem:s2] =	stream.indirect.scatter.add.f32 [tilespmem:s7], [sflag:$0x1], $0x10, s3, s11, $0xb8;
	[tilespmem:$0xEB60] =	vst v63  }
0x18: {  	s12 =	simm.s32 $0x9C8  }
0x19: {  	[spmem:s2] =	stream.indirect.scatter.add.f32 [tilespmem:s7], [sflag:$0x1], $0x10, s12, s11, $0xb8;
	[tilespmem:$0xEB60] =	vst v63  }
0x1a: {  	s13 =	simm.s32 $0x1390  }
0x1b: {  	[spmem:s2] =	stream.indirect.scatter.add.f32 [tilespmem:s7], [sflag:$0x1], $0x10, s13, s11, $0xb8;
	[tilespmem:$0xEB60] =	vst v63  }
0x1c: {  	s14 =	simm.s32 $0x1D58;
	s15 =	simm.s32 $0x1  }
0x1d: {  	[spmem:s2] =	stream.indirect.scatter.add.f32 [tilespmem:s7], [sflag:$0x1], $0x10, s14, s11, $0xb8;
	[tilespmem:$0xEB60] =	vst v63  }
0x1e: {  	_ =	swait.ge [sflag:s15], $0x9C40  }
0x1f: {  	[sflag:s15] =	ssyncset.done $0x0  }
0x20: {  	[sflag:s15] =	ssyncadd.s32 $0xFFFF63C0  }
0x21: {  	_ =	swait.ge [sflag:s15], $0x9C40  }
0x22: {  	[sflag:s15] =	ssyncset.done $0x0  }
0x23: {  	[sflag:s15] =	ssyncadd.s32 $0xFFFF63C0  }
0x24: {  	s19 =	smul.u32 $0x28000, s16;
	s16 =	ssub.s32 $0x2, s16;
	_ =	swait.ge [sflag:s15], $0x9C40  }
0x25: {  	s29 =	sshrl.u32 s16, $0x1;
	[sflag:s15] =	ssyncset.done $0x0  }
0x26: {  	s30 =	ssub.s32 s16, s29;
	[sflag:s15] =	ssyncadd.s32 $0xFFFF63C0  }
0x27: {  	s18 =	sadd.s32 s18, s19;
	s31 =	smax.u32 s30, $0x1;
	_ =	swait.ge [sflag:s15], $0x9C40  }
0x28: {  	s18 =	sshrl.u32 s18, $0x3;
	p0 =	sne.s32 s31, $0x1;
	[sflag:s15] =	ssyncset.done $0x0  }
.Ltmp0:
0x29: {  	s17 =	sadd.s32 s18, s17;
	[sflag:s15] =	ssyncadd.s32 $0xFFFF63C0;
	(pc) =	sbr.rel @!p0 .LBB2_2-.Ltmp0, $4  }
0x2a: {  	s16 =	sadd.s32 $0x1CC00, s17;
	[bflag:$0x0] =	sbarrier.arrive $0xFFFF  }
0x2b: {  	[hbm:s16], [sflag:s9] =	dma.local [spmem:s10], $0x500  }
0x2c: {  	_ =	swait.ge [sflag:s4], $0x500  }
0x2d: {  	s17 =	sadd.s32 $0xFFFFFFFF, s31;
	[sflag:s4] =	ssyncset.done $0x0  }
.LBB2_1:
0x2e: {  	p0 =	sne.s32 s17, $0x1;
	s17 =	sadd.s32 $0xFFFFFFFF, s17;
	[sflag:s4] =	ssyncadd.s32 $0xFFFFFB00  }
0x2f: {  	[tilespmem:s3], [sflag:$0x2] =	stream.linear.gather [hbm4b:s5+s3], $0x2720, $0x38;
	[tilespmem:$0xEB60] =	vst v63  }
0x30: {  	_ =	swait.ge [sflag:s4], $0x2720  }
0x31: {  	[sflag:s4] =	ssyncset.done $0x0  }
0x32: {  	[sflag:s4] =	ssyncadd.s32 $0xFFFFD8E0  }
0x33: {  	[tilespmem:s7], [sflag:$0x2] =	stream.linear.gather [hbm4b:s6+s3], $0x9C40, $0x38;
	[tilespmem:$0xEB60] =	vst v63  }
0x34: {  	_ =	swait.ge [sflag:s4], $0x9C40  }
0x35: {  	[sflag:s4] =	ssyncset.done $0x0  }
0x36: {  	[sflag:s4] =	ssyncadd.s32 $0xFFFF63C0  }
0x37: {  	[spmem:s10], [sflag:s9] =	dma.local [hbm:s8], $0x500  }
0x38: {  	_ =	swait.ge [sflag:s4], $0x500  }
0x39: {  	[sflag:s4] =	ssyncset.done $0x0  }
0x3a: {  	[sflag:s4] =	ssyncadd.s32 $0xFFFFFB00  }
0x3b: {  	[bflag:$0x0] =	sbarrier.arrive $0xFFFF  }
0x3c: {  	[spmem:s2] =	stream.indirect.scatter.add.f32 [tilespmem:s7], [sflag:$0x1], $0x10, s3, s11, $0xb8;
	[tilespmem:$0xEB60] =	vst v63  }
0x3d: {  	_ = 	snop  }
0x3e: {  	[spmem:s2] =	stream.indirect.scatter.add.f32 [tilespmem:s7], [sflag:$0x1], $0x10, s12, s11, $0xb8;
	[tilespmem:$0xEB60] =	vst v63  }
0x3f: {  	_ = 	snop  }
0x40: {  	[spmem:s2] =	stream.indirect.scatter.add.f32 [tilespmem:s7], [sflag:$0x1], $0x10, s13, s11, $0xb8;
	[tilespmem:$0xEB60] =	vst v63  }
0x41: {  	_ = 	snop  }
0x42: {  	[spmem:s2] =	stream.indirect.scatter.add.f32 [tilespmem:s7], [sflag:$0x1], $0x10, s14, s11, $0xb8;
	[tilespmem:$0xEB60] =	vst v63  }
0x43: {  	_ =	swait.ge [sflag:s15], $0x9C40  }
0x44: {  	[sflag:s15] =	ssyncset.done $0x0  }
0x45: {  	[sflag:s15] =	ssyncadd.s32 $0xFFFF63C0  }
0x46: {  	_ =	swait.ge [sflag:s15], $0x9C40  }
0x47: {  	[sflag:s15] =	ssyncset.done $0x0  }
0x48: {  	[sflag:s15] =	ssyncadd.s32 $0xFFFF63C0  }
0x49: {  	_ =	swait.ge [sflag:s15], $0x9C40  }
0x4a: {  	[sflag:s15] =	ssyncset.done $0x0  }
0x4b: {  	[sflag:s15] =	ssyncadd.s32 $0xFFFF63C0  }
0x4c: {  	_ =	swait.ge [sflag:s15], $0x9C40  }
0x4d: {  	[sflag:s15] =	ssyncset.done $0x0  }
.Ltmp1:
0x4e: {  	[sflag:s15] =	ssyncadd.s32 $0xFFFF63C0;
	(pc) =	sbr.rel @p0 .LBB2_1-.Ltmp1, $4  }
0x4f: {  	[bflag:$0x0] =	sbarrier.arrive $0xFFFF  }
0x50: {  	[hbm:s16], [sflag:s9] =	dma.local [spmem:s10], $0x500  }
0x51: {  	_ =	swait.ge [sflag:s4], $0x500  }
0x52: {  	[sflag:s4] =	ssyncset.done $0x0  }
.LBB2_2:
0x53: {  	[sflag:s4] =	ssyncadd.s32 $0xFFFFFB00  }
0x54: {  	_ =	sfence.sel $0x180000  }
0x55: {  	[bflag:$0x0] =	sbarrier.arrive $0xFFFF  }
0x56: {  	p0 =	sne.s32 s0, $0x0;
	_ =	strace $0x90000047  }
0x57: {  	s0 =	sadd.s32 @!p0 $0x100000, s1;
	[bflag:$0x2] =	sbarrier.arrive $0xFFFF  }
0x58: {  	[sflag:s0] =	ssyncadd.tile.s32 @!p0 $0x1;
	_ =	shalt  }
.Lfunc_end2:
_tile_overlayer_lowered:
.L_overlay_start_2:
0x59: {  	(tag) =	ssettag $0x2  }
0x5a: {  	s0 =	rddreg [dreg:$0x0];
	s2 =	stileid.u32  }
0x5b: {  	s1 =	rddreg [dreg:$0x1];
	p0 =	sne.s32 s2, $0x0  }
0x5c: {  	s3 =	rddreg [dreg:$0x2];
	[bflag:$0x3] =	sbarrier.arrive $0xFFFF;
	s2 =	simm.s32 @!p0 $0x1C02  }
0x5d: {  	[timem:s3], [sflag:s2] =	dma.local @!p0 [hbm:s0], s1  }
0x5e: {  	s0 =	simm.s32 @!p0 $0x2  }
0x5f: {  	_ =	swait.ge @!p0 [sflag:s0], s1  }
0x60: {  	s1 =	ssub.s32 @!p0 $0x0, s1;
	[sflag:s0] =	ssyncset.done @!p0 $0x0  }
0x61: {  	[sflag:s0] =	ssyncadd.s32 @!p0 s1  }
0x62: {  	[bflag:$0x3] =	sbarrier.arrive $0xFFFF  }
0x63: {  	_ =	shalt  }

</sc_bundles>
